<compile_context>
chip_gen: v7x
topology: tpu7x:2x2x1
jax: 0.10.2.dev20260603
libtpu: 0.0.44.dev20260713+nightly
codegen_flags: <defaults>
</compile_context>

<pallas_src>
import functools

import jax
import jax.numpy as jnp
from jax import lax
from jax.experimental import pallas as pl
from jax.experimental.pallas import tpu as pltpu
import jax.experimental.pallas.tpu_sc as plsc

N = 10000
E = 640000
D_IN, D_HID, D_LAT = 128, 64, 32

NC, NS = 2, 16
NW = NC * NS
CW = 128
EP = 655360
RW = EP // CW // NW
NP = 10240
RB = NP // NS


def _sc_mesh():
    return plsc.VectorSubcoreMesh(core_axis_name="c", subcore_axis_name="s")


_SC_PARAMS = pltpu.CompilerParams(use_tc_tiling_on_sc=False)



@functools.partial(
    pl.kernel,
    out_type=jax.ShapeDtypeStruct((NC, NP, 1), jnp.float32),
    mesh=_sc_mesh(),
    compiler_params=_SC_PARAMS,
    scratch_types=[
        pltpu.VMEM((RW, CW), jnp.int32),
        pltpu.VMEM((CW, 1), jnp.float32),
        pltpu.VMEM_SHARED((NP, 1), jnp.float32),
    ],
)
def _deg_kernel(dstp, ones, zer, out, dstv, ones_v, deg_s):
    cid = lax.axis_index("c")
    sid = lax.axis_index("s")
    wid = sid * NC + cid
    r0 = sid * RB
    pltpu.sync_copy(zer.at[pl.ds(r0, RB)], deg_s.at[pl.ds(r0, RB)])
    pltpu.sync_copy(ones, ones_v)
    pltpu.sync_copy(dstp.at[pl.ds(wid * RW, RW)], dstv)
    plsc.subcore_barrier()

    def body(j, carry):
        pltpu.sync_copy(ones_v, deg_s.at[dstv.at[j]], add=True)
        return carry

    lax.fori_loop(0, RW, body, 0)
    plsc.subcore_barrier()
    pltpu.sync_copy(deg_s.at[pl.ds(r0, RB)], out.at[cid, pl.ds(r0, RB)])



def _make_agg_kernel(D):
    @functools.partial(
        pl.kernel,
        out_type=jax.ShapeDtypeStruct((NC, NP, D), jnp.float32),
        mesh=_sc_mesh(),
        compiler_params=_SC_PARAMS,
        scratch_types=[
            pltpu.VMEM((RW, CW), jnp.int32),
            pltpu.VMEM((RW, CW), jnp.int32),
            pltpu.VMEM((CW, D), jnp.float32),
            pltpu.VMEM_SHARED((NP, D), jnp.float32),
            pltpu.SemaphoreType.DMA,
        ],
    )
    def agg(hs, srcp, dstp, zer, out, srcv, dstv, gbuf, agg_s, sem):
        cid = lax.axis_index("c")
        sid = lax.axis_index("s")
        wid = sid * NC + cid
        r0 = sid * RB
        pltpu.sync_copy(zer.at[pl.ds(r0, RB)], agg_s.at[pl.ds(r0, RB)])
        pltpu.sync_copy(srcp.at[pl.ds(wid * RW, RW)], srcv)
        pltpu.sync_copy(dstp.at[pl.ds(wid * RW, RW)], dstv)
        plsc.subcore_barrier()

        def body(j, carry):
            pltpu.async_copy(hs.at[srcv.at[j]], gbuf, sem).wait()
            pltpu.sync_copy(gbuf, agg_s.at[dstv.at[j]], add=True)
            return carry

        lax.fori_loop(0, RW, body, 0)
        plsc.subcore_barrier()
        pltpu.sync_copy(agg_s.at[pl.ds(r0, RB)], out.at[cid, pl.ds(r0, RB)])

    return agg


_agg64 = _make_agg_kernel(D_HID)
_agg32 = _make_agg_kernel(D_LAT)



def _tc1_body(x_ref, w_ref, degp_ref, hs_ref, dis_ref):
    dp = degp_ref[...]
    deg = dp[0, :N, :] + dp[1, :N, :] + 1.0
    dis = lax.rsqrt(deg)
    h = jnp.dot(x_ref[...], w_ref[...], preferred_element_type=jnp.float32)
    hs_ref[...] = h * dis
    dis_ref[...] = dis


def _tc1(x, W1, degp):
    return pl.pallas_call(
        _tc1_body,
        out_shape=(
            jax.ShapeDtypeStruct((N, D_HID), jnp.float32),
            jax.ShapeDtypeStruct((N, 1), jnp.float32),
        ),
    )(x, W1, degp)


def _tc2_body(aggp_ref, hs_ref, dis_ref, b_ref, w_ref, out_ref):
    ap = aggp_ref[...]
    dis = dis_ref[...]
    a = ap[0, :N, :] + ap[1, :N, :] + hs_ref[...]
    h = jnp.maximum(a * dis + b_ref[...][None, :], 0.0)
    h2 = jnp.dot(h, w_ref[...], preferred_element_type=jnp.float32)
    out_ref[...] = h2 * dis


def _tc2(agg1, hs1, dis, b1, W2):
    return pl.pallas_call(
        _tc2_body,
        out_shape=jax.ShapeDtypeStruct((N, D_LAT), jnp.float32),
    )(agg1, hs1, dis, b1, W2)


def _tc3_body(aggp_ref, hs_ref, dis_ref, b2_ref, wd1_ref, bd1_ref,
              wd2_ref, bd2_ref, out_ref):
    ap = aggp_ref[...]
    dis = dis_ref[...]
    z = jnp.maximum((ap[0, :N, :] + ap[1, :N, :] + hs_ref[...]) * dis
                    + b2_ref[...][None, :], 0.0)
    d = jnp.maximum(
        jnp.dot(z, wd1_ref[...], preferred_element_type=jnp.float32)
        + bd1_ref[...][None, :], 0.0)
    t = (jnp.dot(d, wd2_ref[...], preferred_element_type=jnp.float32)
         + bd2_ref[...][None, :])
    out_ref[...] = 1.0 / (1.0 + jnp.exp(-t))


def _tc3(agg2, hs2, dis, b2, Wd1, bd1, Wd2, bd2):
    return pl.pallas_call(
        _tc3_body,
        out_shape=jax.ShapeDtypeStruct((N, D_IN), jnp.float32),
    )(agg2, hs2, dis, b2, Wd1, bd1, Wd2, bd2)



def kernel(x, edge_index, W1, b1, W2, b2, Wd1, bd1, Wd2, bd2):
    src = edge_index[0].astype(jnp.int32)
    dst = edge_index[1].astype(jnp.int32)
    pad = EP - E
    srcp = jnp.concatenate([src, jnp.zeros((pad,), jnp.int32)]).reshape(EP // CW, CW)
    dstp = jnp.concatenate([dst, jnp.full((pad,), N, jnp.int32)]).reshape(EP // CW, CW)
    ones = jnp.ones((CW, 1), jnp.float32)
    zer1 = jnp.zeros((NP, 1), jnp.float32)
    zer64 = jnp.zeros((NP, D_HID), jnp.float32)
    zer32 = jnp.zeros((NP, D_LAT), jnp.float32)

    degp = _deg_kernel(dstp, ones, zer1)
    hs1, dis = _tc1(x, W1, degp)
    agg1 = _agg64(hs1, srcp, dstp, zer64)
    hs2 = _tc2(agg1, hs1, dis, b1, W2)
    agg2 = _agg32(hs2, srcp, dstp, zer32)
    return _tc3(agg2, hs2, dis, b2, Wd1, bd1, Wd2, bd2)

# --- scband reference (transcript-rebuilt; emitter-appended) ---
"""Pipeline reference for scband-gcnauto-encoder-31370441130067 (READ-ONLY COPY).

The authoritative reference and input builder live on the scoring server;
editing this copy changes nothing except your own understanding.
"""

import jax, jax.numpy as jnp
import numpy as np

N = 10000
E = 640000
D_IN = 128
D_HID = 64
D_LAT = 32


def _glorot(key, shape):
    fan_in, fan_out = shape[0], shape[1]
    lim = float(np.sqrt(6.0 / (fan_in + fan_out)))
    return jax.random.uniform(key, shape, dtype=jnp.float32, minval=-lim, maxval=lim)


def setup_inputs(seed: int = 0) -> dict:
    key = jax.random.key(seed)
    ks = jax.random.split(key, 10)
    x = jax.random.normal(ks[0], (N, D_IN), dtype=jnp.float32)
    edge_index = jax.random.randint(ks[1], (2, E), 0, N, dtype=jnp.int64)
    W1 = _glorot(ks[2], (D_IN, D_HID))
    b1 = jnp.zeros((D_HID,), dtype=jnp.float32)
    W2 = _glorot(ks[3], (D_HID, D_LAT))
    b2 = jnp.zeros((D_LAT,), dtype=jnp.float32)
    Wd1 = _glorot(ks[4], (D_LAT, D_HID))
    bd1 = jnp.zeros((D_HID,), dtype=jnp.float32)
    Wd2 = _glorot(ks[5], (D_HID, D_IN))
    bd2 = jnp.zeros((D_IN,), dtype=jnp.float32)
    return {"x": x, "edge_index": edge_index, "W1": W1, "b1": b1, "W2": W2, "b2": b2, "Wd1": Wd1, "bd1": bd1, "Wd2": Wd2, "bd2": bd2}


def gcn_conv(x, edge_index, W, b):
    # PyG GCNConv: linear (no bias) -> add self loops -> sym norm -> scatter-add -> + bias
    n = x.shape[0]
    loop = jnp.arange(n, dtype=edge_index.dtype)
    src = jnp.concatenate([edge_index[0], loop])
    dst = jnp.concatenate([edge_index[1], loop])
    w = jnp.ones(src.shape[0], dtype=x.dtype)
    deg = jnp.zeros((n,), dtype=x.dtype).at[dst].add(w)
    dis = jnp.where(deg > 0, jax.lax.rsqrt(jnp.maximum(deg, 1e-12)), 0.0)
    norm = dis[src] * dis[dst]
    h = x @ W
    msg = norm[:, None] * jnp.take(h, src, axis=0)
    out = jnp.zeros((n, W.shape[1]), dtype=x.dtype).at[dst].add(msg)
    return out + b


def reference(x, edge_index, W1, b1, W2, b2, Wd1, bd1, Wd2, bd2):
    h = jax.nn.relu(gcn_conv(x, edge_index, W1, b1))
    z = jax.nn.relu(gcn_conv(h, edge_index, W2, b2))
    d = jax.nn.relu(z @ Wd1 + bd1)
    x_hat = jax.nn.sigmoid(d @ Wd2 + bd2)
    return x_hat

if __name__ == "__main__":
    import jax
    _d = setup_inputs()
    print(jax.jit(kernel)(*tuple(_d.values())))

</pallas_src>

<mosaic_0001>
#map = affine_map<(d0, d1) -> (0, 0)>
#map1 = affine_map<(d0, d1) -> (0, 0, 0)>
module attributes {stable_mosaic.version = 14 : i64} {
  func.func @_deg_kernel(%arg0: i32, %arg1: i32, %arg2: memref<5120x128xi32, #tpu.memory_space<hbm>>, %arg3: memref<128x1xf32, #tpu.memory_space<hbm>>, %arg4: memref<10240x1xf32, #tpu.memory_space<hbm>>, %arg5: memref<2x10240x1xf32, #tpu.memory_space<hbm>>, %arg6: memref<160x128xi32, #tpu.memory_space<vmem>>, %arg7: memref<128x1xf32, #tpu.memory_space<vmem>>, %arg8: memref<10240x1xf32, #tpu.memory_space<vmem_shared>>) attributes {dimension_semantics = [#tpu.dimension_semantics<core_parallel>, #tpu.dimension_semantics<subcore_parallel>], iteration_bounds = array<i64: 2, 16>, scalar_prefetch = 0 : i64, scratch_operands = 3 : i64, tpu.core_type = #tpu.core_type<sc_vector_subcore>, window_params = [{transform_indices = #map}, {transform_indices = #map}, {transform_indices = #map}, {transform_indices = #map1}]} {
    %mul3A = arith.constant 2 : i32
    %mul3A_0 = arith.muli %arg1, %mul3A : i32
    %add3A = arith.addi %mul3A_0, %arg0 : i32
    %mul3A_1 = arith.constant 640 : i32
    %mul3A_2 = arith.muli %arg1, %mul3A_1 : i32
    "tpu.region"() ({
      %run_scoped3A = tpu.sem_alloc : memref<!tpu.dma_semaphore, #tpu.memory_space<semaphore_mem>>
      %dma_start3A = arith.constant 0 : i32
      %dma_start3A_11 = tpu.memref_slice %arg8[%mul3A_2, %dma_start3A] : memref<10240x1xf32, #tpu.memory_space<vmem_shared>> -> memref<640x1xf32, #tpu.memory_space<vmem_shared>>
      %dma_start3A_12 = arith.constant 0 : i32
      %dma_start3A_13 = tpu.memref_slice %arg4[%mul3A_2, %dma_start3A_12] : memref<10240x1xf32, #tpu.memory_space<hbm>> -> memref<640x1xf32, #tpu.memory_space<hbm>>
      tpu.enqueue_dma source(%dma_start3A_13 : memref<640x1xf32, #tpu.memory_space<hbm>>) target(%dma_start3A_11 : memref<640x1xf32, #tpu.memory_space<vmem_shared>>) target_semaphore(%run_scoped3A : memref<!tpu.dma_semaphore, #tpu.memory_space<semaphore_mem>>)
      %dma_wait3A = arith.constant 0 : i32
      %dma_wait3A_14 = tpu.memref_slice %arg8[%mul3A_2, %dma_wait3A] : memref<10240x1xf32, #tpu.memory_space<vmem_shared>> -> memref<640x1xf32, #tpu.memory_space<vmem_shared>>
      %dma_wait3A_15 = arith.constant 0 : i32
      %dma_wait3A_16 = tpu.memref_slice %arg4[%mul3A_2, %dma_wait3A_15] : memref<10240x1xf32, #tpu.memory_space<hbm>> -> memref<640x1xf32, #tpu.memory_space<hbm>>
      tpu.wait_dma2 semaphore(%run_scoped3A : memref<!tpu.dma_semaphore, #tpu.memory_space<semaphore_mem>>) src(%dma_wait3A_16 : memref<640x1xf32, #tpu.memory_space<hbm>>) dst(%dma_wait3A_14 : memref<640x1xf32, #tpu.memory_space<vmem_shared>>)
      tpu.yield
    }) : () -> ()
    "tpu.region"() ({
      %run_scoped3A = tpu.sem_alloc : memref<!tpu.dma_semaphore, #tpu.memory_space<semaphore_mem>>
      tpu.enqueue_dma source(%arg3 : memref<128x1xf32, #tpu.memory_space<hbm>>) target(%arg7 : memref<128x1xf32, #tpu.memory_space<vmem>>) target_semaphore(%run_scoped3A : memref<!tpu.dma_semaphore, #tpu.memory_space<semaphore_mem>>)
      tpu.wait_dma2 semaphore(%run_scoped3A : memref<!tpu.dma_semaphore, #tpu.memory_space<semaphore_mem>>) src(%arg3 : memref<128x1xf32, #tpu.memory_space<hbm>>) dst(%arg7 : memref<128x1xf32, #tpu.memory_space<vmem>>)
      tpu.yield
    }) : () -> ()
    %mul3A_3 = arith.constant 160 : i32
    %mul3A_4 = arith.muli %add3A, %mul3A_3 : i32
    "tpu.region"() ({
      %run_scoped3A = tpu.sem_alloc : memref<!tpu.dma_semaphore, #tpu.memory_space<semaphore_mem>>
      %dma_start3A = arith.constant 0 : i32
      %dma_start3A_11 = tpu.memref_slice %arg2[%mul3A_4, %dma_start3A] : memref<5120x128xi32, #tpu.memory_space<hbm>> -> memref<160x128xi32, #tpu.memory_space<hbm>>
      %dma_start3A_12 = arith.constant 0 : i32
      %dma_start3A_13 = tpu.memref_slice %arg2[%mul3A_4, %dma_start3A_12] : memref<5120x128xi32, #tpu.memory_space<hbm>> -> memref<160x128xi32, #tpu.memory_space<hbm>>
      tpu.enqueue_dma source(%dma_start3A_13 : memref<160x128xi32, #tpu.memory_space<hbm>>) target(%arg6 : memref<160x128xi32, #tpu.memory_space<vmem>>) target_semaphore(%run_scoped3A : memref<!tpu.dma_semaphore, #tpu.memory_space<semaphore_mem>>)
      %dma_wait3A = arith.constant 0 : i32
      %dma_wait3A_14 = tpu.memref_slice %arg2[%mul3A_4, %dma_wait3A] : memref<5120x128xi32, #tpu.memory_space<hbm>> -> memref<160x128xi32, #tpu.memory_space<hbm>>
      %dma_wait3A_15 = arith.constant 0 : i32
      %dma_wait3A_16 = tpu.memref_slice %arg2[%mul3A_4, %dma_wait3A_15] : memref<5120x128xi32, #tpu.memory_space<hbm>> -> memref<160x128xi32, #tpu.memory_space<hbm>>
      tpu.wait_dma2 semaphore(%run_scoped3A : memref<!tpu.dma_semaphore, #tpu.memory_space<semaphore_mem>>) src(%dma_wait3A_16 : memref<160x128xi32, #tpu.memory_space<hbm>>) dst(%arg6 : memref<160x128xi32, #tpu.memory_space<vmem>>)
      tpu.yield
    }) : () -> ()
    %barrier3A = arith.constant 0 : index
    tpu.barrier barrier_id(%barrier3A)
    %scan3A = arith.constant 0 : i32
    %scan3A_5 = arith.constant 0 : i32
    %scan3A_6 = arith.constant 160 : i32
    %scan3A_7 = arith.addi %scan3A_5, %scan3A_6 : i32
    %scan3A_8 = arith.constant 1 : i32
    scf.for %scan3A_11 = %scan3A_5 to %scan3A_7 step %scan3A_8  : i32 {
      "tpu.region"() ({
        %run_scoped3A = tpu.sem_alloc : memref<!tpu.dma_semaphore, #tpu.memory_space<semaphore_mem>>
        %dma_start3A = arith.constant 0 : i32
        %dma_start3A_12 = tpu.memref_slice %arg6[%scan3A_11, %dma_start3A] : memref<160x128xi32, #tpu.memory_space<vmem>> -> memref<1x128xi32, #tpu.memory_space<vmem>>
        %dma_start3A_13 = tpu.memref_squeeze %dma_start3A_12 : memref<1x128xi32, #tpu.memory_space<vmem>> -> memref<128xi32, #tpu.memory_space<vmem>>
        %dma_start3A_14 = arith.constant 0 : i32
        %dma_start3A_15 = arith.constant 0 : i32
        %dma_start3A_16 = tpu.memref_slice %arg8[%dma_start3A_14, %dma_start3A_15] : memref<10240x1xf32, #tpu.memory_space<vmem_shared>> -> memref<10240x1xf32, #tpu.memory_space<vmem_shared>>
        tpu.enqueue_indirect_dma source(%arg7 : memref<128x1xf32, #tpu.memory_space<vmem>>) target(%dma_start3A_16 : memref<10240x1xf32, #tpu.memory_space<vmem_shared>>) offsets(%dma_start3A_13 : memref<128xi32, #tpu.memory_space<vmem>>) semaphore(%run_scoped3A : memref<!tpu.dma_semaphore, #tpu.memory_space<semaphore_mem>>) {add = true}
        %dma_wait3A = arith.constant 0 : i32
        %dma_wait3A_17 = tpu.memref_slice %arg6[%scan3A_11, %dma_wait3A] : memref<160x128xi32, #tpu.memory_space<vmem>> -> memref<1x128xi32, #tpu.memory_space<vmem>>
        %dma_wait3A_18 = tpu.memref_squeeze %dma_wait3A_17 : memref<1x128xi32, #tpu.memory_space<vmem>> -> memref<128xi32, #tpu.memory_space<vmem>>
        %dma_wait3A_19 = arith.constant 0 : i32
        %dma_wait3A_20 = arith.constant 0 : i32
        %dma_wait3A_21 = tpu.memref_slice %arg8[%dma_wait3A_19, %dma_wait3A_20] : memref<10240x1xf32, #tpu.memory_space<vmem_shared>> -> memref<10240x1xf32, #tpu.memory_space<vmem_shared>>
        tpu.wait_indirect_dma semaphore(%run_scoped3A : memref<!tpu.dma_semaphore, #tpu.memory_space<semaphore_mem>>) src(%arg7 : memref<128x1xf32, #tpu.memory_space<vmem>>) dst(%dma_wait3A_21 : memref<10240x1xf32, #tpu.memory_space<vmem_shared>>)
        tpu.yield
      }) : () -> ()
    }
    %scan3A_9 = arith.constant 160 : i32
    %barrier3A_10 = arith.constant 0 : index
    tpu.barrier barrier_id(%barrier3A_10)
    "tpu.region"() ({
      %run_scoped3A = tpu.sem_alloc : memref<!tpu.dma_semaphore, #tpu.memory_space<semaphore_mem>>
      %dma_start3A = arith.constant 0 : i32
      %dma_start3A_11 = tpu.memref_slice %arg5[%arg0, %mul3A_2, %dma_start3A] : memref<2x10240x1xf32, #tpu.memory_space<hbm>> -> memref<1x640x1xf32, #tpu.memory_space<hbm>>
      %dma_start3A_12 = tpu.memref_squeeze %dma_start3A_11 : memref<1x640x1xf32, #tpu.memory_space<hbm>> -> memref<640x1xf32, #tpu.memory_space<hbm>>
      %dma_start3A_13 = arith.constant 0 : i32
      %dma_start3A_14 = tpu.memref_slice %arg8[%mul3A_2, %dma_start3A_13] : memref<10240x1xf32, #tpu.memory_space<vmem_shared>> -> memref<640x1xf32, #tpu.memory_space<vmem_shared>>
      tpu.enqueue_dma source(%dma_start3A_14 : memref<640x1xf32, #tpu.memory_space<vmem_shared>>) target(%dma_start3A_12 : memref<640x1xf32, #tpu.memory_space<hbm>>) target_semaphore(%run_scoped3A : memref<!tpu.dma_semaphore, #tpu.memory_space<semaphore_mem>>)
      %dma_wait3A = arith.constant 0 : i32
      %dma_wait3A_15 = tpu.memref_slice %arg5[%arg0, %mul3A_2, %dma_wait3A] : memref<2x10240x1xf32, #tpu.memory_space<hbm>> -> memref<1x640x1xf32, #tpu.memory_space<hbm>>
      %dma_wait3A_16 = tpu.memref_squeeze %dma_wait3A_15 : memref<1x640x1xf32, #tpu.memory_space<hbm>> -> memref<640x1xf32, #tpu.memory_space<hbm>>
      %dma_wait3A_17 = arith.constant 0 : i32
      %dma_wait3A_18 = tpu.memref_slice %arg8[%mul3A_2, %dma_wait3A_17] : memref<10240x1xf32, #tpu.memory_space<vmem_shared>> -> memref<640x1xf32, #tpu.memory_space<vmem_shared>>
      tpu.wait_dma2 semaphore(%run_scoped3A : memref<!tpu.dma_semaphore, #tpu.memory_space<semaphore_mem>>) src(%dma_wait3A_18 : memref<640x1xf32, #tpu.memory_space<vmem_shared>>) dst(%dma_wait3A_16 : memref<640x1xf32, #tpu.memory_space<hbm>>)
      tpu.yield
    }) : () -> ()
    return
  }
}

#map = affine_map<(d0, d1) -> (0, 0)>
#map1 = affine_map<(d0, d1) -> (0, 0, 0)>
module attributes {stable_mosaic.version = 14 : i64} {
  func.func @agg(%arg0: i32, %arg1: i32, %arg2: memref<10000x32xf32, #tpu.memory_space<hbm>>, %arg3: memref<5120x128xi32, #tpu.memory_space<hbm>>, %arg4: memref<5120x128xi32, #tpu.memory_space<hbm>>, %arg5: memref<10240x32xf32, #tpu.memory_space<hbm>>, %arg6: memref<2x10240x32xf32, #tpu.memory_space<hbm>>, %arg7: memref<160x128xi32, #tpu.memory_space<vmem>>, %arg8: memref<160x128xi32, #tpu.memory_space<vmem>>, %arg9: memref<128x32xf32, #tpu.memory_space<vmem>>, %arg10: memref<10240x32xf32, #tpu.memory_space<vmem_shared>>, %arg11: memref<!tpu.dma_semaphore, #tpu.memory_space<semaphore_mem>>) attributes {dimension_semantics = [#tpu.dimension_semantics<core_parallel>, #tpu.dimension_semantics<subcore_parallel>], iteration_bounds = array<i64: 2, 16>, scalar_prefetch = 0 : i64, scratch_operands = 5 : i64, tpu.core_type = #tpu.core_type<sc_vector_subcore>, window_params = [{transform_indices = #map}, {transform_indices = #map}, {transform_indices = #map}, {transform_indices = #map}, {transform_indices = #map1}]} {
    %mul3A = arith.constant 2 : i32
    %mul3A_0 = arith.muli %arg1, %mul3A : i32
    %add3A = arith.addi %mul3A_0, %arg0 : i32
    %mul3A_1 = arith.constant 640 : i32
    %mul3A_2 = arith.muli %arg1, %mul3A_1 : i32
    "tpu.region"() ({
      %run_scoped3A = tpu.sem_alloc : memref<!tpu.dma_semaphore, #tpu.memory_space<semaphore_mem>>
      %dma_start3A = arith.constant 0 : i32
      %dma_start3A_13 = tpu.memref_slice %arg10[%mul3A_2, %dma_start3A] : memref<10240x32xf32, #tpu.memory_space<vmem_shared>> -> memref<640x32xf32, #tpu.memory_space<vmem_shared>>
      %dma_start3A_14 = arith.constant 0 : i32
      %dma_start3A_15 = tpu.memref_slice %arg5[%mul3A_2, %dma_start3A_14] : memref<10240x32xf32, #tpu.memory_space<hbm>> -> memref<640x32xf32, #tpu.memory_space<hbm>>
      tpu.enqueue_dma source(%dma_start3A_15 : memref<640x32xf32, #tpu.memory_space<hbm>>) target(%dma_start3A_13 : memref<640x32xf32, #tpu.memory_space<vmem_shared>>) target_semaphore(%run_scoped3A : memref<!tpu.dma_semaphore, #tpu.memory_space<semaphore_mem>>)
      %dma_wait3A = arith.constant 0 : i32
      %dma_wait3A_16 = tpu.memref_slice %arg10[%mul3A_2, %dma_wait3A] : memref<10240x32xf32, #tpu.memory_space<vmem_shared>> -> memref<640x32xf32, #tpu.memory_space<vmem_shared>>
      %dma_wait3A_17 = arith.constant 0 : i32
      %dma_wait3A_18 = tpu.memref_slice %arg5[%mul3A_2, %dma_wait3A_17] : memref<10240x32xf32, #tpu.memory_space<hbm>> -> memref<640x32xf32, #tpu.memory_space<hbm>>
      tpu.wait_dma2 semaphore(%run_scoped3A : memref<!tpu.dma_semaphore, #tpu.memory_space<semaphore_mem>>) src(%dma_wait3A_18 : memref<640x32xf32, #tpu.memory_space<hbm>>) dst(%dma_wait3A_16 : memref<640x32xf32, #tpu.memory_space<vmem_shared>>)
      tpu.yield
    }) : () -> ()
    %mul3A_3 = arith.constant 160 : i32
    %mul3A_4 = arith.muli %add3A, %mul3A_3 : i32
    "tpu.region"() ({
      %run_scoped3A = tpu.sem_alloc : memref<!tpu.dma_semaphore, #tpu.memory_space<semaphore_mem>>
      %dma_start3A = arith.constant 0 : i32
      %dma_start3A_13 = tpu.memref_slice %arg3[%mul3A_4, %dma_start3A] : memref<5120x128xi32, #tpu.memory_space<hbm>> -> memref<160x128xi32, #tpu.memory_space<hbm>>
      %dma_start3A_14 = arith.constant 0 : i32
      %dma_start3A_15 = tpu.memref_slice %arg3[%mul3A_4, %dma_start3A_14] : memref<5120x128xi32, #tpu.memory_space<hbm>> -> memref<160x128xi32, #tpu.memory_space<hbm>>
      tpu.enqueue_dma source(%dma_start3A_15 : memref<160x128xi32, #tpu.memory_space<hbm>>) target(%arg7 : memref<160x128xi32, #tpu.memory_space<vmem>>) target_semaphore(%run_scoped3A : memref<!tpu.dma_semaphore, #tpu.memory_space<semaphore_mem>>)
      %dma_wait3A = arith.constant 0 : i32
      %dma_wait3A_16 = tpu.memref_slice %arg3[%mul3A_4, %dma_wait3A] : memref<5120x128xi32, #tpu.memory_space<hbm>> -> memref<160x128xi32, #tpu.memory_space<hbm>>
      %dma_wait3A_17 = arith.constant 0 : i32
      %dma_wait3A_18 = tpu.memref_slice %arg3[%mul3A_4, %dma_wait3A_17] : memref<5120x128xi32, #tpu.memory_space<hbm>> -> memref<160x128xi32, #tpu.memory_space<hbm>>
      tpu.wait_dma2 semaphore(%run_scoped3A : memref<!tpu.dma_semaphore, #tpu.memory_space<semaphore_mem>>) src(%dma_wait3A_18 : memref<160x128xi32, #tpu.memory_space<hbm>>) dst(%arg7 : memref<160x128xi32, #tpu.memory_space<vmem>>)
      tpu.yield
    }) : () -> ()
    %mul3A_5 = arith.constant 160 : i32
    %mul3A_6 = arith.muli %add3A, %mul3A_5 : i32
    "tpu.region"() ({
      %run_scoped3A = tpu.sem_alloc : memref<!tpu.dma_semaphore, #tpu.memory_space<semaphore_mem>>
      %dma_start3A = arith.constant 0 : i32
      %dma_start3A_13 = tpu.memref_slice %arg4[%mul3A_6, %dma_start3A] : memref<5120x128xi32, #tpu.memory_space<hbm>> -> memref<160x128xi32, #tpu.memory_space<hbm>>
      %dma_start3A_14 = arith.constant 0 : i32
      %dma_start3A_15 = tpu.memref_slice %arg4[%mul3A_6, %dma_start3A_14] : memref<5120x128xi32, #tpu.memory_space<hbm>> -> memref<160x128xi32, #tpu.memory_space<hbm>>
      tpu.enqueue_dma source(%dma_start3A_15 : memref<160x128xi32, #tpu.memory_space<hbm>>) target(%arg8 : memref<160x128xi32, #tpu.memory_space<vmem>>) target_semaphore(%run_scoped3A : memref<!tpu.dma_semaphore, #tpu.memory_space<semaphore_mem>>)
      %dma_wait3A = arith.constant 0 : i32
      %dma_wait3A_16 = tpu.memref_slice %arg4[%mul3A_6, %dma_wait3A] : memref<5120x128xi32, #tpu.memory_space<hbm>> -> memref<160x128xi32, #tpu.memory_space<hbm>>
      %dma_wait3A_17 = arith.constant 0 : i32
      %dma_wait3A_18 = tpu.memref_slice %arg4[%mul3A_6, %dma_wait3A_17] : memref<5120x128xi32, #tpu.memory_space<hbm>> -> memref<160x128xi32, #tpu.memory_space<hbm>>
      tpu.wait_dma2 semaphore(%run_scoped3A : memref<!tpu.dma_semaphore, #tpu.memory_space<semaphore_mem>>) src(%dma_wait3A_18 : memref<160x128xi32, #tpu.memory_space<hbm>>) dst(%arg8 : memref<160x128xi32, #tpu.memory_space<vmem>>)
      tpu.yield
    }) : () -> ()
    %barrier3A = arith.constant 0 : index
    tpu.barrier barrier_id(%barrier3A)
    %scan3A = arith.constant 0 : i32
    %scan3A_7 = arith.constant 0 : i32
    %scan3A_8 = arith.constant 160 : i32
    %scan3A_9 = arith.addi %scan3A_7, %scan3A_8 : i32
    %scan3A_10 = arith.constant 1 : i32
    scf.for %scan3A_13 = %scan3A_7 to %scan3A_9 step %scan3A_10  : i32 {
      %dma_start3A = arith.constant 0 : i32
      %dma_start3A_14 = tpu.memref_slice %arg7[%scan3A_13, %dma_start3A] : memref<160x128xi32, #tpu.memory_space<vmem>> -> memref<1x128xi32, #tpu.memory_space<vmem>>
      %dma_start3A_15 = tpu.memref_squeeze %dma_start3A_14 : memref<1x128xi32, #tpu.memory_space<vmem>> -> memref<128xi32, #tpu.memory_space<vmem>>
      %dma_start3A_16 = arith.constant 0 : i32
      %dma_start3A_17 = arith.constant 0 : i32
      %dma_start3A_18 = tpu.memref_slice %arg2[%dma_start3A_16, %dma_start3A_17] : memref<10000x32xf32, #tpu.memory_space<hbm>> -> memref<10000x32xf32, #tpu.memory_space<hbm>>
      tpu.enqueue_indirect_dma source(%dma_start3A_18 : memref<10000x32xf32, #tpu.memory_space<hbm>>) target(%arg9 : memref<128x32xf32, #tpu.memory_space<vmem>>) offsets(%dma_start3A_15 : memref<128xi32, #tpu.memory_space<vmem>>) semaphore(%arg11 : memref<!tpu.dma_semaphore, #tpu.memory_space<semaphore_mem>>)
      %dma_wait3A = arith.constant 0 : i32
      %dma_wait3A_19 = tpu.memref_slice %arg7[%scan3A_13, %dma_wait3A] : memref<160x128xi32, #tpu.memory_space<vmem>> -> memref<1x128xi32, #tpu.memory_space<vmem>>
      %dma_wait3A_20 = tpu.memref_squeeze %dma_wait3A_19 : memref<1x128xi32, #tpu.memory_space<vmem>> -> memref<128xi32, #tpu.memory_space<vmem>>
      %dma_wait3A_21 = arith.constant 0 : i32
      %dma_wait3A_22 = arith.constant 0 : i32
      %dma_wait3A_23 = tpu.memref_slice %arg2[%dma_wait3A_21, %dma_wait3A_22] : memref<10000x32xf32, #tpu.memory_space<hbm>> -> memref<10000x32xf32, #tpu.memory_space<hbm>>
      tpu.wait_indirect_dma semaphore(%arg11 : memref<!tpu.dma_semaphore, #tpu.memory_space<semaphore_mem>>) src(%dma_wait3A_23 : memref<10000x32xf32, #tpu.memory_space<hbm>>) dst(%arg9 : memref<128x32xf32, #tpu.memory_space<vmem>>)
      "tpu.region"() ({
        %run_scoped3A = tpu.sem_alloc : memref<!tpu.dma_semaphore, #tpu.memory_space<semaphore_mem>>
        %dma_start3A_24 = arith.constant 0 : i32
        %dma_start3A_25 = tpu.memref_slice %arg8[%scan3A_13, %dma_start3A_24] : memref<160x128xi32, #tpu.memory_space<vmem>> -> memref<1x128xi32, #tpu.memory_space<vmem>>
        %dma_start3A_26 = tpu.memref_squeeze %dma_start3A_25 : memref<1x128xi32, #tpu.memory_space<vmem>> -> memref<128xi32, #tpu.memory_space<vmem>>
        %dma_start3A_27 = arith.constant 0 : i32
        %dma_start3A_28 = arith.constant 0 : i32
        %dma_start3A_29 = tpu.memref_slice %arg10[%dma_start3A_27, %dma_start3A_28] : memref<10240x32xf32, #tpu.memory_space<vmem_shared>> -> memref<10240x32xf32, #tpu.memory_space<vmem_shared>>
        tpu.enqueue_indirect_dma source(%arg9 : memref<128x32xf32, #tpu.memory_space<vmem>>) target(%dma_start3A_29 : memref<10240x32xf32, #tpu.memory_space<vmem_shared>>) offsets(%dma_start3A_26 : memref<128xi32, #tpu.memory_space<vmem>>) semaphore(%run_scoped3A : memref<!tpu.dma_semaphore, #tpu.memory_space<semaphore_mem>>) {add = true}
        %dma_wait3A_30 = arith.constant 0 : i32
        %dma_wait3A_31 = tpu.memref_slice %arg8[%scan3A_13, %dma_wait3A_30] : memref<160x128xi32, #tpu.memory_space<vmem>> -> memref<1x128xi32, #tpu.memory_space<vmem>>
        %dma_wait3A_32 = tpu.memref_squeeze %dma_wait3A_31 : memref<1x128xi32, #tpu.memory_space<vmem>> -> memref<128xi32, #tpu.memory_space<vmem>>
        %dma_wait3A_33 = arith.constant 0 : i32
        %dma_wait3A_34 = arith.constant 0 : i32
        %dma_wait3A_35 = tpu.memref_slice %arg10[%dma_wait3A_33, %dma_wait3A_34] : memref<10240x32xf32, #tpu.memory_space<vmem_shared>> -> memref<10240x32xf32, #tpu.memory_space<vmem_shared>>
        tpu.wait_indirect_dma semaphore(%run_scoped3A : memref<!tpu.dma_semaphore, #tpu.memory_space<semaphore_mem>>) src(%arg9 : memref<128x32xf32, #tpu.memory_space<vmem>>) dst(%dma_wait3A_35 : memref<10240x32xf32, #tpu.memory_space<vmem_shared>>)
        tpu.yield
      }) : () -> ()
    }
    %scan3A_11 = arith.constant 160 : i32
    %barrier3A_12 = arith.constant 0 : index
    tpu.barrier barrier_id(%barrier3A_12)
    "tpu.region"() ({
      %run_scoped3A = tpu.sem_alloc : memref<!tpu.dma_semaphore, #tpu.memory_space<semaphore_mem>>
      %dma_start3A = arith.constant 0 : i32
      %dma_start3A_13 = tpu.memref_slice %arg6[%arg0, %mul3A_2, %dma_start3A] : memref<2x10240x32xf32, #tpu.memory_space<hbm>> -> memref<1x640x32xf32, #tpu.memory_space<hbm>>
      %dma_start3A_14 = tpu.memref_squeeze %dma_start3A_13 : memref<1x640x32xf32, #tpu.memory_space<hbm>> -> memref<640x32xf32, #tpu.memory_space<hbm>>
      %dma_start3A_15 = arith.constant 0 : i32
      %dma_start3A_16 = tpu.memref_slice %arg10[%mul3A_2, %dma_start3A_15] : memref<10240x32xf32, #tpu.memory_space<vmem_shared>> -> memref<640x32xf32, #tpu.memory_space<vmem_shared>>
      tpu.enqueue_dma source(%dma_start3A_16 : memref<640x32xf32, #tpu.memory_space<vmem_shared>>) target(%dma_start3A_14 : memref<640x32xf32, #tpu.memory_space<hbm>>) target_semaphore(%run_scoped3A : memref<!tpu.dma_semaphore, #tpu.memory_space<semaphore_mem>>)
      %dma_wait3A = arith.constant 0 : i32
      %dma_wait3A_17 = tpu.memref_slice %arg6[%arg0, %mul3A_2, %dma_wait3A] : memref<2x10240x32xf32, #tpu.memory_space<hbm>> -> memref<1x640x32xf32, #tpu.memory_space<hbm>>
      %dma_wait3A_18 = tpu.memref_squeeze %dma_wait3A_17 : memref<1x640x32xf32, #tpu.memory_space<hbm>> -> memref<640x32xf32, #tpu.memory_space<hbm>>
      %dma_wait3A_19 = arith.constant 0 : i32
      %dma_wait3A_20 = tpu.memref_slice %arg10[%mul3A_2, %dma_wait3A_19] : memref<10240x32xf32, #tpu.memory_space<vmem_shared>> -> memref<640x32xf32, #tpu.memory_space<vmem_shared>>
      tpu.wait_dma2 semaphore(%run_scoped3A : memref<!tpu.dma_semaphore, #tpu.memory_space<semaphore_mem>>) src(%dma_wait3A_20 : memref<640x32xf32, #tpu.memory_space<vmem_shared>>) dst(%dma_wait3A_18 : memref<640x32xf32, #tpu.memory_space<hbm>>)
      tpu.yield
    }) : () -> ()
    return
  }
}

#map = affine_map<(d0, d1) -> (0, 0)>
#map1 = affine_map<(d0, d1) -> (0, 0, 0)>
module attributes {stable_mosaic.version = 14 : i64} {
  func.func @agg(%arg0: i32, %arg1: i32, %arg2: memref<10000x64xf32, #tpu.memory_space<hbm>>, %arg3: memref<5120x128xi32, #tpu.memory_space<hbm>>, %arg4: memref<5120x128xi32, #tpu.memory_space<hbm>>, %arg5: memref<10240x64xf32, #tpu.memory_space<hbm>>, %arg6: memref<2x10240x64xf32, #tpu.memory_space<hbm>>, %arg7: memref<160x128xi32, #tpu.memory_space<vmem>>, %arg8: memref<160x128xi32, #tpu.memory_space<vmem>>, %arg9: memref<128x64xf32, #tpu.memory_space<vmem>>, %arg10: memref<10240x64xf32, #tpu.memory_space<vmem_shared>>, %arg11: memref<!tpu.dma_semaphore, #tpu.memory_space<semaphore_mem>>) attributes {dimension_semantics = [#tpu.dimension_semantics<core_parallel>, #tpu.dimension_semantics<subcore_parallel>], iteration_bounds = array<i64: 2, 16>, scalar_prefetch = 0 : i64, scratch_operands = 5 : i64, tpu.core_type = #tpu.core_type<sc_vector_subcore>, window_params = [{transform_indices = #map}, {transform_indices = #map}, {transform_indices = #map}, {transform_indices = #map}, {transform_indices = #map1}]} {
    %mul3A = arith.constant 2 : i32
    %mul3A_0 = arith.muli %arg1, %mul3A : i32
    %add3A = arith.addi %mul3A_0, %arg0 : i32
    %mul3A_1 = arith.constant 640 : i32
    %mul3A_2 = arith.muli %arg1, %mul3A_1 : i32
    "tpu.region"() ({
      %run_scoped3A = tpu.sem_alloc : memref<!tpu.dma_semaphore, #tpu.memory_space<semaphore_mem>>
      %dma_start3A = arith.constant 0 : i32
      %dma_start3A_13 = tpu.memref_slice %arg10[%mul3A_2, %dma_start3A] : memref<10240x64xf32, #tpu.memory_space<vmem_shared>> -> memref<640x64xf32, #tpu.memory_space<vmem_shared>>
      %dma_start3A_14 = arith.constant 0 : i32
      %dma_start3A_15 = tpu.memref_slice %arg5[%mul3A_2, %dma_start3A_14] : memref<10240x64xf32, #tpu.memory_space<hbm>> -> memref<640x64xf32, #tpu.memory_space<hbm>>
      tpu.enqueue_dma source(%dma_start3A_15 : memref<640x64xf32, #tpu.memory_space<hbm>>) target(%dma_start3A_13 : memref<640x64xf32, #tpu.memory_space<vmem_shared>>) target_semaphore(%run_scoped3A : memref<!tpu.dma_semaphore, #tpu.memory_space<semaphore_mem>>)
      %dma_wait3A = arith.constant 0 : i32
      %dma_wait3A_16 = tpu.memref_slice %arg10[%mul3A_2, %dma_wait3A] : memref<10240x64xf32, #tpu.memory_space<vmem_shared>> -> memref<640x64xf32, #tpu.memory_space<vmem_shared>>
      %dma_wait3A_17 = arith.constant 0 : i32
      %dma_wait3A_18 = tpu.memref_slice %arg5[%mul3A_2, %dma_wait3A_17] : memref<10240x64xf32, #tpu.memory_space<hbm>> -> memref<640x64xf32, #tpu.memory_space<hbm>>
      tpu.wait_dma2 semaphore(%run_scoped3A : memref<!tpu.dma_semaphore, #tpu.memory_space<semaphore_mem>>) src(%dma_wait3A_18 : memref<640x64xf32, #tpu.memory_space<hbm>>) dst(%dma_wait3A_16 : memref<640x64xf32, #tpu.memory_space<vmem_shared>>)
      tpu.yield
    }) : () -> ()
    %mul3A_3 = arith.constant 160 : i32
    %mul3A_4 = arith.muli %add3A, %mul3A_3 : i32
    "tpu.region"() ({
      %run_scoped3A = tpu.sem_alloc : memref<!tpu.dma_semaphore, #tpu.memory_space<semaphore_mem>>
      %dma_start3A = arith.constant 0 : i32
      %dma_start3A_13 = tpu.memref_slice %arg3[%mul3A_4, %dma_start3A] : memref<5120x128xi32, #tpu.memory_space<hbm>> -> memref<160x128xi32, #tpu.memory_space<hbm>>
      %dma_start3A_14 = arith.constant 0 : i32
      %dma_start3A_15 = tpu.memref_slice %arg3[%mul3A_4, %dma_start3A_14] : memref<5120x128xi32, #tpu.memory_space<hbm>> -> memref<160x128xi32, #tpu.memory_space<hbm>>
      tpu.enqueue_dma source(%dma_start3A_15 : memref<160x128xi32, #tpu.memory_space<hbm>>) target(%arg7 : memref<160x128xi32, #tpu.memory_space<vmem>>) target_semaphore(%run_scoped3A : memref<!tpu.dma_semaphore, #tpu.memory_space<semaphore_mem>>)
      %dma_wait3A = arith.constant 0 : i32
      %dma_wait3A_16 = tpu.memref_slice %arg3[%mul3A_4, %dma_wait3A] : memref<5120x128xi32, #tpu.memory_space<hbm>> -> memref<160x128xi32, #tpu.memory_space<hbm>>
      %dma_wait3A_17 = arith.constant 0 : i32
      %dma_wait3A_18 = tpu.memref_slice %arg3[%mul3A_4, %dma_wait3A_17] : memref<5120x128xi32, #tpu.memory_space<hbm>> -> memref<160x128xi32, #tpu.memory_space<hbm>>
      tpu.wait_dma2 semaphore(%run_scoped3A : memref<!tpu.dma_semaphore, #tpu.memory_space<semaphore_mem>>) src(%dma_wait3A_18 : memref<160x128xi32, #tpu.memory_space<hbm>>) dst(%arg7 : memref<160x128xi32, #tpu.memory_space<vmem>>)
      tpu.yield
    }) : () -> ()
    %mul3A_5 = arith.constant 160 : i32
    %mul3A_6 = arith.muli %add3A, %mul3A_5 : i32
    "tpu.region"() ({
      %run_scoped3A = tpu.sem_alloc : memref<!tpu.dma_semaphore, #tpu.memory_space<semaphore_mem>>
      %dma_start3A = arith.constant 0 : i32
      %dma_start3A_13 = tpu.memref_slice %arg4[%mul3A_6, %dma_start3A] : memref<5120x128xi32, #tpu.memory_space<hbm>> -> memref<160x128xi32, #tpu.memory_space<hbm>>
      %dma_start3A_14 = arith.constant 0 : i32
      %dma_start3A_15 = tpu.memref_slice %arg4[%mul3A_6, %dma_start3A_14] : memref<5120x128xi32, #tpu.memory_space<hbm>> -> memref<160x128xi32, #tpu.memory_space<hbm>>
      tpu.enqueue_dma source(%dma_start3A_15 : memref<160x128xi32, #tpu.memory_space<hbm>>) target(%arg8 : memref<160x128xi32, #tpu.memory_space<vmem>>) target_semaphore(%run_scoped3A : memref<!tpu.dma_semaphore, #tpu.memory_space<semaphore_mem>>)
      %dma_wait3A = arith.constant 0 : i32
      %dma_wait3A_16 = tpu.memref_slice %arg4[%mul3A_6, %dma_wait3A] : memref<5120x128xi32, #tpu.memory_space<hbm>> -> memref<160x128xi32, #tpu.memory_space<hbm>>
      %dma_wait3A_17 = arith.constant 0 : i32
      %dma_wait3A_18 = tpu.memref_slice %arg4[%mul3A_6, %dma_wait3A_17] : memref<5120x128xi32, #tpu.memory_space<hbm>> -> memref<160x128xi32, #tpu.memory_space<hbm>>
      tpu.wait_dma2 semaphore(%run_scoped3A : memref<!tpu.dma_semaphore, #tpu.memory_space<semaphore_mem>>) src(%dma_wait3A_18 : memref<160x128xi32, #tpu.memory_space<hbm>>) dst(%arg8 : memref<160x128xi32, #tpu.memory_space<vmem>>)
      tpu.yield
    }) : () -> ()
    %barrier3A = arith.constant 0 : index
    tpu.barrier barrier_id(%barrier3A)
    %scan3A = arith.constant 0 : i32
    %scan3A_7 = arith.constant 0 : i32
    %scan3A_8 = arith.constant 160 : i32
    %scan3A_9 = arith.addi %scan3A_7, %scan3A_8 : i32
    %scan3A_10 = arith.constant 1 : i32
    scf.for %scan3A_13 = %scan3A_7 to %scan3A_9 step %scan3A_10  : i32 {
      %dma_start3A = arith.constant 0 : i32
      %dma_start3A_14 = tpu.memref_slice %arg7[%scan3A_13, %dma_start3A] : memref<160x128xi32, #tpu.memory_space<vmem>> -> memref<1x128xi32, #tpu.memory_space<vmem>>
      %dma_start3A_15 = tpu.memref_squeeze %dma_start3A_14 : memref<1x128xi32, #tpu.memory_space<vmem>> -> memref<128xi32, #tpu.memory_space<vmem>>
      %dma_start3A_16 = arith.constant 0 : i32
      %dma_start3A_17 = arith.constant 0 : i32
      %dma_start3A_18 = tpu.memref_slice %arg2[%dma_start3A_16, %dma_start3A_17] : memref<10000x64xf32, #tpu.memory_space<hbm>> -> memref<10000x64xf32, #tpu.memory_space<hbm>>
      tpu.enqueue_indirect_dma source(%dma_start3A_18 : memref<10000x64xf32, #tpu.memory_space<hbm>>) target(%arg9 : memref<128x64xf32, #tpu.memory_space<vmem>>) offsets(%dma_start3A_15 : memref<128xi32, #tpu.memory_space<vmem>>) semaphore(%arg11 : memref<!tpu.dma_semaphore, #tpu.memory_space<semaphore_mem>>)
      %dma_wait3A = arith.constant 0 : i32
      %dma_wait3A_19 = tpu.memref_slice %arg7[%scan3A_13, %dma_wait3A] : memref<160x128xi32, #tpu.memory_space<vmem>> -> memref<1x128xi32, #tpu.memory_space<vmem>>
      %dma_wait3A_20 = tpu.memref_squeeze %dma_wait3A_19 : memref<1x128xi32, #tpu.memory_space<vmem>> -> memref<128xi32, #tpu.memory_space<vmem>>
      %dma_wait3A_21 = arith.constant 0 : i32
      %dma_wait3A_22 = arith.constant 0 : i32
      %dma_wait3A_23 = tpu.memref_slice %arg2[%dma_wait3A_21, %dma_wait3A_22] : memref<10000x64xf32, #tpu.memory_space<hbm>> -> memref<10000x64xf32, #tpu.memory_space<hbm>>
      tpu.wait_indirect_dma semaphore(%arg11 : memref<!tpu.dma_semaphore, #tpu.memory_space<semaphore_mem>>) src(%dma_wait3A_23 : memref<10000x64xf32, #tpu.memory_space<hbm>>) dst(%arg9 : memref<128x64xf32, #tpu.memory_space<vmem>>)
      "tpu.region"() ({
        %run_scoped3A = tpu.sem_alloc : memref<!tpu.dma_semaphore, #tpu.memory_space<semaphore_mem>>
        %dma_start3A_24 = arith.constant 0 : i32
        %dma_start3A_25 = tpu.memref_slice %arg8[%scan3A_13, %dma_start3A_24] : memref<160x128xi32, #tpu.memory_space<vmem>> -> memref<1x128xi32, #tpu.memory_space<vmem>>
        %dma_start3A_26 = tpu.memref_squeeze %dma_start3A_25 : memref<1x128xi32, #tpu.memory_space<vmem>> -> memref<128xi32, #tpu.memory_space<vmem>>
        %dma_start3A_27 = arith.constant 0 : i32
        %dma_start3A_28 = arith.constant 0 : i32
        %dma_start3A_29 = tpu.memref_slice %arg10[%dma_start3A_27, %dma_start3A_28] : memref<10240x64xf32, #tpu.memory_space<vmem_shared>> -> memref<10240x64xf32, #tpu.memory_space<vmem_shared>>
        tpu.enqueue_indirect_dma source(%arg9 : memref<128x64xf32, #tpu.memory_space<vmem>>) target(%dma_start3A_29 : memref<10240x64xf32, #tpu.memory_space<vmem_shared>>) offsets(%dma_start3A_26 : memref<128xi32, #tpu.memory_space<vmem>>) semaphore(%run_scoped3A : memref<!tpu.dma_semaphore, #tpu.memory_space<semaphore_mem>>) {add = true}
        %dma_wait3A_30 = arith.constant 0 : i32
        %dma_wait3A_31 = tpu.memref_slice %arg8[%scan3A_13, %dma_wait3A_30] : memref<160x128xi32, #tpu.memory_space<vmem>> -> memref<1x128xi32, #tpu.memory_space<vmem>>
        %dma_wait3A_32 = tpu.memref_squeeze %dma_wait3A_31 : memref<1x128xi32, #tpu.memory_space<vmem>> -> memref<128xi32, #tpu.memory_space<vmem>>
        %dma_wait3A_33 = arith.constant 0 : i32
        %dma_wait3A_34 = arith.constant 0 : i32
        %dma_wait3A_35 = tpu.memref_slice %arg10[%dma_wait3A_33, %dma_wait3A_34] : memref<10240x64xf32, #tpu.memory_space<vmem_shared>> -> memref<10240x64xf32, #tpu.memory_space<vmem_shared>>
        tpu.wait_indirect_dma semaphore(%run_scoped3A : memref<!tpu.dma_semaphore, #tpu.memory_space<semaphore_mem>>) src(%arg9 : memref<128x64xf32, #tpu.memory_space<vmem>>) dst(%dma_wait3A_35 : memref<10240x64xf32, #tpu.memory_space<vmem_shared>>)
        tpu.yield
      }) : () -> ()
    }
    %scan3A_11 = arith.constant 160 : i32
    %barrier3A_12 = arith.constant 0 : index
    tpu.barrier barrier_id(%barrier3A_12)
    "tpu.region"() ({
      %run_scoped3A = tpu.sem_alloc : memref<!tpu.dma_semaphore, #tpu.memory_space<semaphore_mem>>
      %dma_start3A = arith.constant 0 : i32
      %dma_start3A_13 = tpu.memref_slice %arg6[%arg0, %mul3A_2, %dma_start3A] : memref<2x10240x64xf32, #tpu.memory_space<hbm>> -> memref<1x640x64xf32, #tpu.memory_space<hbm>>
      %dma_start3A_14 = tpu.memref_squeeze %dma_start3A_13 : memref<1x640x64xf32, #tpu.memory_space<hbm>> -> memref<640x64xf32, #tpu.memory_space<hbm>>
      %dma_start3A_15 = arith.constant 0 : i32
      %dma_start3A_16 = tpu.memref_slice %arg10[%mul3A_2, %dma_start3A_15] : memref<10240x64xf32, #tpu.memory_space<vmem_shared>> -> memref<640x64xf32, #tpu.memory_space<vmem_shared>>
      tpu.enqueue_dma source(%dma_start3A_16 : memref<640x64xf32, #tpu.memory_space<vmem_shared>>) target(%dma_start3A_14 : memref<640x64xf32, #tpu.memory_space<hbm>>) target_semaphore(%run_scoped3A : memref<!tpu.dma_semaphore, #tpu.memory_space<semaphore_mem>>)
      %dma_wait3A = arith.constant 0 : i32
      %dma_wait3A_17 = tpu.memref_slice %arg6[%arg0, %mul3A_2, %dma_wait3A] : memref<2x10240x64xf32, #tpu.memory_space<hbm>> -> memref<1x640x64xf32, #tpu.memory_space<hbm>>
      %dma_wait3A_18 = tpu.memref_squeeze %dma_wait3A_17 : memref<1x640x64xf32, #tpu.memory_space<hbm>> -> memref<640x64xf32, #tpu.memory_space<hbm>>
      %dma_wait3A_19 = arith.constant 0 : i32
      %dma_wait3A_20 = tpu.memref_slice %arg10[%mul3A_2, %dma_wait3A_19] : memref<10240x64xf32, #tpu.memory_space<vmem_shared>> -> memref<640x64xf32, #tpu.memory_space<vmem_shared>>
      tpu.wait_dma2 semaphore(%run_scoped3A : memref<!tpu.dma_semaphore, #tpu.memory_space<semaphore_mem>>) src(%dma_wait3A_20 : memref<640x64xf32, #tpu.memory_space<vmem_shared>>) dst(%dma_wait3A_18 : memref<640x64xf32, #tpu.memory_space<hbm>>)
      tpu.yield
    }) : () -> ()
    return
  }
}

module attributes {stable_mosaic.version = 14 : i64} {
  func.func @_tc1_body(%arg0: memref<10000x128xf32, #tpu.memory_space<vmem>>, %arg1: memref<128x64xf32, #tpu.memory_space<vmem>>, %arg2: memref<2x10240x1xf32, #tpu.memory_space<vmem>>, %arg3: memref<10000x64xf32, #tpu.memory_space<vmem>>, %arg4: memref<10000x1xf32, #tpu.memory_space<vmem>>) attributes {dimension_semantics = [], scalar_prefetch = 0 : i64, scratch_operands = 0 : i64, tpu.core_type = #tpu.core_type<tc>} {
    %get3A = arith.constant 0 : index
    %get3A_0 = arith.constant 0 : index
    %get3A_1 = arith.constant 0 : index
    %get3A_2 = vector.load %arg2[%get3A, %get3A_0, %get3A_1] : memref<2x10240x1xf32, #tpu.memory_space<vmem>>, vector<2x10240x1xf32>
    %slice3A = vector.extract_strided_slice %get3A_2 {offsets = [0, 0, 0], sizes = [1, 10000, 1], strides = [1, 1, 1]} : vector<2x10240x1xf32> to vector<1x10000x1xf32>
    %squeeze3A = vector.shape_cast %slice3A : vector<1x10000x1xf32> to vector<10000x1xf32>
    %slice3A_3 = vector.extract_strided_slice %get3A_2 {offsets = [1, 0, 0], sizes = [1, 10000, 1], strides = [1, 1, 1]} : vector<2x10240x1xf32> to vector<1x10000x1xf32>
    %squeeze3A_4 = vector.shape_cast %slice3A_3 : vector<1x10000x1xf32> to vector<10000x1xf32>
    %add3A = arith.addf %squeeze3A, %squeeze3A_4 : vector<10000x1xf32>
    %add3A_5 = arith.constant 1.000000e+00 : f32
    %add3A_6 = vector.broadcast %add3A_5 : f32 to vector<10000x1xf32>
    %add3A_7 = arith.addf %add3A, %add3A_6 : vector<10000x1xf32>
    %rsqrt3A = math.rsqrt %add3A_7 : vector<10000x1xf32>
    %get3A_8 = arith.constant 0 : index
    %get3A_9 = arith.constant 0 : index
    %get3A_10 = vector.load %arg0[%get3A_8, %get3A_9] : memref<10000x128xf32, #tpu.memory_space<vmem>>, vector<10000x128xf32>
    %get3A_11 = arith.constant 0 : index
    %get3A_12 = arith.constant 0 : index
    %get3A_13 = vector.load %arg1[%get3A_11, %get3A_12] : memref<128x64xf32, #tpu.memory_space<vmem>>, vector<128x64xf32>
    %dot_general3A = arith.constant dense<0.000000e+00> : vector<10000x64xf32>
    %dot_general3A_14 = tpu.matmul %get3A_10, %get3A_13, %dot_general3A {dimension_numbers = #tpu.dot_dimension_numbers<[1], [0], [0], [1], [0, 0, 1, 1], [], []>, transpose_lhs_hint = false} : vector<10000x128xf32>, vector<128x64xf32>, vector<10000x64xf32> -> vector<10000x64xf32>
    %mul3A = vector.broadcast %rsqrt3A : vector<10000x1xf32> to vector<10000x64xf32>
    %mul3A_15 = arith.mulf %dot_general3A_14, %mul3A : vector<10000x64xf32>
    %swap3A = arith.constant 0 : index
    %swap3A_16 = arith.constant 0 : index
    %swap3A_17 = vector.load %arg3[%swap3A, %swap3A_16] : memref<10000x64xf32, #tpu.memory_space<vmem>>, vector<10000x64xf32>
    tpu.vector_store %arg3[%swap3A, %swap3A_16], %mul3A_15 {strides = array<i32>} : memref<10000x64xf32, #tpu.memory_space<vmem>>, vector<10000x64xf32>,
    %swap3A_18 = arith.constant 0 : index
    %swap3A_19 = arith.constant 0 : index
    %swap3A_20 = vector.load %arg4[%swap3A_18, %swap3A_19] : memref<10000x1xf32, #tpu.memory_space<vmem>>, vector<10000x1xf32>
    tpu.vector_store %arg4[%swap3A_18, %swap3A_19], %rsqrt3A {strides = array<i32>} : memref<10000x1xf32, #tpu.memory_space<vmem>>, vector<10000x1xf32>,
    return
  }
}

module attributes {stable_mosaic.version = 14 : i64} {
  func.func @_tc2_body(%arg0: memref<2x10240x64xf32, #tpu.memory_space<vmem>>, %arg1: memref<10000x64xf32, #tpu.memory_space<vmem>>, %arg2: memref<10000x1xf32, #tpu.memory_space<vmem>>, %arg3: memref<64xf32, #tpu.memory_space<vmem>>, %arg4: memref<64x32xf32, #tpu.memory_space<vmem>>, %arg5: memref<10000x32xf32, #tpu.memory_space<vmem>>) attributes {dimension_semantics = [], scalar_prefetch = 0 : i64, scratch_operands = 0 : i64, tpu.core_type = #tpu.core_type<tc>} {
    %get3A = arith.constant 0 : index
    %get3A_0 = arith.constant 0 : index
    %get3A_1 = arith.constant 0 : index
    %get3A_2 = vector.load %arg0[%get3A, %get3A_0, %get3A_1] : memref<2x10240x64xf32, #tpu.memory_space<vmem>>, vector<2x10240x64xf32>
    %get3A_3 = arith.constant 0 : index
    %get3A_4 = arith.constant 0 : index
    %get3A_5 = vector.load %arg2[%get3A_3, %get3A_4] : memref<10000x1xf32, #tpu.memory_space<vmem>>, vector<10000x1xf32>
    %slice3A = vector.extract_strided_slice %get3A_2 {offsets = [0, 0, 0], sizes = [1, 10000, 64], strides = [1, 1, 1]} : vector<2x10240x64xf32> to vector<1x10000x64xf32>
    %squeeze3A = vector.shape_cast %slice3A : vector<1x10000x64xf32> to vector<10000x64xf32>
    %slice3A_6 = vector.extract_strided_slice %get3A_2 {offsets = [1, 0, 0], sizes = [1, 10000, 64], strides = [1, 1, 1]} : vector<2x10240x64xf32> to vector<1x10000x64xf32>
    %squeeze3A_7 = vector.shape_cast %slice3A_6 : vector<1x10000x64xf32> to vector<10000x64xf32>
    %add3A = arith.addf %squeeze3A, %squeeze3A_7 : vector<10000x64xf32>
    %get3A_8 = arith.constant 0 : index
    %get3A_9 = arith.constant 0 : index
    %get3A_10 = vector.load %arg1[%get3A_8, %get3A_9] : memref<10000x64xf32, #tpu.memory_space<vmem>>, vector<10000x64xf32>
    %add3A_11 = arith.addf %add3A, %get3A_10 : vector<10000x64xf32>
    %mul3A = vector.broadcast %get3A_5 : vector<10000x1xf32> to vector<10000x64xf32>
    %mul3A_12 = arith.mulf %add3A_11, %mul3A : vector<10000x64xf32>
    %get3A_13 = arith.constant 0 : index
    %get3A_14 = vector.load %arg3[%get3A_13] : memref<64xf32, #tpu.memory_space<vmem>>, vector<64xf32>
    %broadcast_in_dim3A = vector.shape_cast %get3A_14 : vector<64xf32> to vector<1x64xf32>
    %add3A_15 = vector.broadcast %broadcast_in_dim3A : vector<1x64xf32> to vector<10000x64xf32>
    %add3A_16 = arith.addf %mul3A_12, %add3A_15 : vector<10000x64xf32>
    %max3A = arith.constant 0.000000e+00 : f32
    %max3A_17 = vector.broadcast %max3A : f32 to vector<10000x64xf32>
    %max3A_18 = arith.maximumf %add3A_16, %max3A_17 : vector<10000x64xf32>
    %get3A_19 = arith.constant 0 : index
    %get3A_20 = arith.constant 0 : index
    %get3A_21 = vector.load %arg4[%get3A_19, %get3A_20] : memref<64x32xf32, #tpu.memory_space<vmem>>, vector<64x32xf32>
    %dot_general3A = arith.constant dense<0.000000e+00> : vector<10000x32xf32>
    %dot_general3A_22 = tpu.matmul %max3A_18, %get3A_21, %dot_general3A {dimension_numbers = #tpu.dot_dimension_numbers<[1], [0], [0], [1], [0, 0, 1, 1], [], []>, transpose_lhs_hint = false} : vector<10000x64xf32>, vector<64x32xf32>, vector<10000x32xf32> -> vector<10000x32xf32>
    %mul3A_23 = vector.broadcast %get3A_5 : vector<10000x1xf32> to vector<10000x32xf32>
    %mul3A_24 = arith.mulf %dot_general3A_22, %mul3A_23 : vector<10000x32xf32>
    %swap3A = arith.constant 0 : index
    %swap3A_25 = arith.constant 0 : index
    %swap3A_26 = vector.load %arg5[%swap3A, %swap3A_25] : memref<10000x32xf32, #tpu.memory_space<vmem>>, vector<10000x32xf32>
    tpu.vector_store %arg5[%swap3A, %swap3A_25], %mul3A_24 {strides = array<i32>} : memref<10000x32xf32, #tpu.memory_space<vmem>>, vector<10000x32xf32>,
    return
  }
}

module attributes {stable_mosaic.version = 14 : i64} {
  func.func @_tc3_body(%arg0: memref<2x10240x32xf32, #tpu.memory_space<vmem>>, %arg1: memref<10000x32xf32, #tpu.memory_space<vmem>>, %arg2: memref<10000x1xf32, #tpu.memory_space<vmem>>, %arg3: memref<32xf32, #tpu.memory_space<vmem>>, %arg4: memref<32x64xf32, #tpu.memory_space<vmem>>, %arg5: memref<64xf32, #tpu.memory_space<vmem>>, %arg6: memref<64x128xf32, #tpu.memory_space<vmem>>, %arg7: memref<128xf32, #tpu.memory_space<vmem>>, %arg8: memref<10000x128xf32, #tpu.memory_space<vmem>>) attributes {dimension_semantics = [], scalar_prefetch = 0 : i64, scratch_operands = 0 : i64, tpu.core_type = #tpu.core_type<tc>} {
    %get3A = arith.constant 0 : index
    %get3A_0 = arith.constant 0 : index
    %get3A_1 = arith.constant 0 : index
    %get3A_2 = vector.load %arg0[%get3A, %get3A_0, %get3A_1] : memref<2x10240x32xf32, #tpu.memory_space<vmem>>, vector<2x10240x32xf32>
    %get3A_3 = arith.constant 0 : index
    %get3A_4 = arith.constant 0 : index
    %get3A_5 = vector.load %arg2[%get3A_3, %get3A_4] : memref<10000x1xf32, #tpu.memory_space<vmem>>, vector<10000x1xf32>
    %slice3A = vector.extract_strided_slice %get3A_2 {offsets = [0, 0, 0], sizes = [1, 10000, 32], strides = [1, 1, 1]} : vector<2x10240x32xf32> to vector<1x10000x32xf32>
    %squeeze3A = vector.shape_cast %slice3A : vector<1x10000x32xf32> to vector<10000x32xf32>
    %slice3A_6 = vector.extract_strided_slice %get3A_2 {offsets = [1, 0, 0], sizes = [1, 10000, 32], strides = [1, 1, 1]} : vector<2x10240x32xf32> to vector<1x10000x32xf32>
    %squeeze3A_7 = vector.shape_cast %slice3A_6 : vector<1x10000x32xf32> to vector<10000x32xf32>
    %add3A = arith.addf %squeeze3A, %squeeze3A_7 : vector<10000x32xf32>
    %get3A_8 = arith.constant 0 : index
    %get3A_9 = arith.constant 0 : index
    %get3A_10 = vector.load %arg1[%get3A_8, %get3A_9] : memref<10000x32xf32, #tpu.memory_space<vmem>>, vector<10000x32xf32>
    %add3A_11 = arith.addf %add3A, %get3A_10 : vector<10000x32xf32>
    %mul3A = vector.broadcast %get3A_5 : vector<10000x1xf32> to vector<10000x32xf32>
    %mul3A_12 = arith.mulf %add3A_11, %mul3A : vector<10000x32xf32>
    %get3A_13 = arith.constant 0 : index
    %get3A_14 = vector.load %arg3[%get3A_13] : memref<32xf32, #tpu.memory_space<vmem>>, vector<32xf32>
    %broadcast_in_dim3A = vector.shape_cast %get3A_14 : vector<32xf32> to vector<1x32xf32>
    %add3A_15 = vector.broadcast %broadcast_in_dim3A : vector<1x32xf32> to vector<10000x32xf32>
    %add3A_16 = arith.addf %mul3A_12, %add3A_15 : vector<10000x32xf32>
    %max3A = arith.constant 0.000000e+00 : f32
    %max3A_17 = vector.broadcast %max3A : f32 to vector<10000x32xf32>
    %max3A_18 = arith.maximumf %add3A_16, %max3A_17 : vector<10000x32xf32>
    %get3A_19 = arith.constant 0 : index
    %get3A_20 = arith.constant 0 : index
    %get3A_21 = vector.load %arg4[%get3A_19, %get3A_20] : memref<32x64xf32, #tpu.memory_space<vmem>>, vector<32x64xf32>
    %dot_general3A = arith.constant dense<0.000000e+00> : vector<10000x64xf32>
    %dot_general3A_22 = tpu.matmul %max3A_18, %get3A_21, %dot_general3A {dimension_numbers = #tpu.dot_dimension_numbers<[1], [0], [0], [1], [0, 0, 1, 1], [], []>, transpose_lhs_hint = false} : vector<10000x32xf32>, vector<32x64xf32>, vector<10000x64xf32> -> vector<10000x64xf32>
    %get3A_23 = arith.constant 0 : index
    %get3A_24 = vector.load %arg5[%get3A_23] : memref<64xf32, #tpu.memory_space<vmem>>, vector<64xf32>
    %broadcast_in_dim3A_25 = vector.shape_cast %get3A_24 : vector<64xf32> to vector<1x64xf32>
    %add3A_26 = vector.broadcast %broadcast_in_dim3A_25 : vector<1x64xf32> to vector<10000x64xf32>
    %add3A_27 = arith.addf %dot_general3A_22, %add3A_26 : vector<10000x64xf32>
    %max3A_28 = arith.constant 0.000000e+00 : f32
    %max3A_29 = vector.broadcast %max3A_28 : f32 to vector<10000x64xf32>
    %max3A_30 = arith.maximumf %add3A_27, %max3A_29 : vector<10000x64xf32>
    %get3A_31 = arith.constant 0 : index
    %get3A_32 = arith.constant 0 : index
    %get3A_33 = vector.load %arg6[%get3A_31, %get3A_32] : memref<64x128xf32, #tpu.memory_space<vmem>>, vector<64x128xf32>
    %dot_general3A_34 = arith.constant dense<0.000000e+00> : vector<10000x128xf32>
    %dot_general3A_35 = tpu.matmul %max3A_30, %get3A_33, %dot_general3A_34 {dimension_numbers = #tpu.dot_dimension_numbers<[1], [0], [0], [1], [0, 0, 1, 1], [], []>, transpose_lhs_hint = false} : vector<10000x64xf32>, vector<64x128xf32>, vector<10000x128xf32> -> vector<10000x128xf32>
    %get3A_36 = arith.constant 0 : index
    %get3A_37 = vector.load %arg7[%get3A_36] : memref<128xf32, #tpu.memory_space<vmem>>, vector<128xf32>
    %broadcast_in_dim3A_38 = vector.shape_cast %get3A_37 : vector<128xf32> to vector<1x128xf32>
    %add3A_39 = vector.broadcast %broadcast_in_dim3A_38 : vector<1x128xf32> to vector<10000x128xf32>
    %add3A_40 = arith.addf %dot_general3A_35, %add3A_39 : vector<10000x128xf32>
    %neg3A = arith.constant 0.000000e+00 : f32
    %neg3A_41 = vector.broadcast %neg3A : f32 to vector<10000x128xf32>
    %neg3A_42 = arith.subf %neg3A_41, %add3A_40 : vector<10000x128xf32>
    %exp3A = math.exp %neg3A_42 : vector<10000x128xf32>
    %add3A_43 = arith.constant 1.000000e+00 : f32
    %add3A_44 = vector.broadcast %add3A_43 : f32 to vector<10000x128xf32>
    %add3A_45 = arith.addf %add3A_44, %exp3A : vector<10000x128xf32>
    %div3A = arith.constant 1.000000e+00 : f32
    %div3A_46 = vector.broadcast %div3A : f32 to vector<10000x128xf32>
    %div3A_47 = arith.divf %div3A_46, %add3A_45 : vector<10000x128xf32>
    %swap3A = arith.constant 0 : index
    %swap3A_48 = arith.constant 0 : index
    %swap3A_49 = vector.load %arg8[%swap3A, %swap3A_48] : memref<10000x128xf32, #tpu.memory_space<vmem>>, vector<10000x128xf32>
    tpu.vector_store %arg8[%swap3A, %swap3A_48], %div3A_47 {strides = array<i32>} : memref<10000x128xf32, #tpu.memory_space<vmem>>, vector<10000x128xf32>,
    return
  }
}

</mosaic_0001>

<sc_bundles>
// kernel: kernel.11.cloned.1.call-start
scs
__scs_entry_jumppad:
0x0: {  	(pc) =	sbr.rel $0x88, $3  }
0x1: {  	(tag) =	ssettag $0x0;
	lr =	simm.s32 $0x1  }
0x2: {  	[smem:$0x3F97] =	sst lr;
	_ =	strace $0xD0000000  }
0x3: {  	_ = 	snop  }
0x4: {  	_ = 	snop  }
0x5: {  	_ = 	snop  }
0x6: {  	_ = 	snop  }
0x7: {  	_ = 	snop  }
__scs_overlays_trampoline_lowered:
0x8: {  	[smem:$0x3FA6] =	sst s0  }
0x9: {  	[smem:$0x3FA7] =	sst s1  }
0xa: {  	[smem:$0x3FA8] =	sst s2  }
0xb: {  	[smem:$0x3FA9] =	sst s3  }
0xc: {  	[smem:$0x3FAA] =	sst s4  }
0xd: {  	[smem:$0x3FAB] =	sst s5  }
0xe: {  	[smem:$0x3FAC] =	sst s6  }
0xf: {  	[smem:$0x3FAD] =	sst s7  }
0x10: {  	[smem:$0x3FAE] =	sst s8  }
0x11: {  	[smem:$0x3FAF] =	sst s9;
	s0 =	simm.s32 @!p0 $0x0  }
0x12: {  	s1 =	sld [smem:$0x3F95];
	s0 =	simm.s32 @p0 $0x1  }
0x13: {  	[smem:$0x3FB0] =	sst s0;
	s0 =	simm.s32 @!p1 $0x0  }
0x14: {  	s2 =	sld [smem:$0x3F94];
	s0 =	simm.s32 @p1 $0x1  }
0x15: {  	[smem:$0x3FB1] =	sst s0;
	s0 =	simm.s32 @!p2 $0x0  }
0x16: {  	s3 =	sld [smem:$0x3FDB];
	s0 =	simm.s32 @p2 $0x1  }
0x17: {  	s4 =	simm.s32 $0x1BF5;
	[smem:$0x3FB3] =	sst s0  }
0x18: {  	s0 =	sld [smem:$0x3F96];
	_ =	swait.ge [sflag:s4], $0x0  }
0x19: {  	s7 =	sld [smem:$0x3F97]  }
0x1a: {  	s8 =	sadd.s32 $0xFFFFE003, lr  }
0x1b: {  	s9 =	sadd.s32 $0xFFFFFEF7, lr;
	s5 =	simm.s32 $0xFFFFFFFF;
	p2 =	slt.u32 s8, $0xFFFFF086  }
0x1c: {  	p1 =	slt.u32 s9, $0xF7A;
	s5 =	simm.s32 @!p2 $0x0  }
0x1d: {  	s5 =	simm.s32 @p1 $0x1;
	p0 =	seq.s32 s7, s2  }
0x1e: {  	s7 =	smul.u32 @!p0 $0xF7A, s2;
	p2 =	seq.s32 @!p0 s5, $0x0  }
0x1f: {  	s9 =	smul.u32 $0xF7A, s1;
	s8 =	simm.s32 @!p0 $0x1BF5;
	p2 =	por !p2, p0  }
0x20: {  	[sflag:s8] =	ssyncset.s32 @!p0 $0xFFFFF086;
	s6 =	sadd.s32 @!p0 s3, s7;
	s7 =	simm.s32 @!p0 $0x108  }
0x21: {  	s3 =	sadd.s32 s3, s9;
	s6 =	sadd.s32 @!p0 $0x88, s6;
	s7 =	simm.s32 @p2 $0x1082  }
0x22: {  	[simem:s7], [sflag:s8] =	dma.local @!p0 [hbm:s6], $0xF7A  }
0x23: {  	s9 =	sor.u32 $0xD0000000, s2;
	s6 =	simm.s32 $0x108;
	_ =	swait.ge @!p0 [sflag:s8], $0x0  }
0x24: {  	s3 =	sadd.s32 $0x88, s3;
	s6 =	simm.s32 @!p1 $0x1082;
	[sflag:s4] =	ssyncset.s32 $0xFFFFF086  }
0x25: {  	[simem:s6], [sflag:s4] =	dma.local [hbm:s3], $0xF7A  }
0x26: {  	[smem:$0x3F97] =	sst s1;
	(tag) =	ssettag s2;
	_ =	strace s9  }
0x27: {  	s1 =	sld [smem:$0x3FA7]  }
0x28: {  	s2 =	sld [smem:$0x3FA8]  }
0x29: {  	s4 =	sld [smem:$0x3FAA]  }
0x2a: {  	p0 =	seq.s32 s5, $0x0;
	s5 =	sld [smem:$0x3FAB]  }
0x2b: {  	s6 =	sld [smem:$0x3FAC]  }
0x2c: {  	s7 =	sld [smem:$0x3FAD]  }
0x2d: {  	s3 =	simm.s32 $0x108;
	s8 =	sld [smem:$0x3FAE]  }
0x2e: {  	s3 =	simm.s32 @!p0 $0x1082;
	s9 =	sld [smem:$0x3FAF]  }
0x2f: {  	lr =	sadd.s32 s0, s3;
	s0 =	sld [smem:$0x3FA6]  }
0x30: {  	s3 =	sld [smem:$0x3FA9]  }
0x31: {  	[smem:$0x3FB2] =	sst s10  }
0x32: {  	s10 =	sld [smem:$0x3FB0];
	_ =	sdelay $0x3  }
0x33: {  	p0 =	seq.s32 s10, $0x1;
	s10 =	sld [smem:$0x3FB2];
	_ =	sdelay $0x3  }
0x34: {  	[smem:$0x3FB2] =	sst s10  }
0x35: {  	s10 =	sld [smem:$0x3FB1];
	_ =	sdelay $0x3  }
0x36: {  	p1 =	seq.s32 s10, $0x1;
	s10 =	sld [smem:$0x3FB2];
	_ =	sdelay $0x3  }
0x37: {  	[smem:$0x3FB2] =	sst s10  }
0x38: {  	s10 =	sld [smem:$0x3FB3]  }
0x39: {  	_ = 	snop;
	(pc) =	sbr.ind lr, $3  }
0x3a: {  	_ = 	snop  }
0x3b: {  	_ = 	snop  }
0x3c: {  	p2 =	seq.s32 s10, $0x1;
	s10 =	sld [smem:$0x3FB2]  }
0x3d: {  	_ =	shalt  }
0x3e: {  	_ =	shalt  }
0x3f: {  	_ =	shalt  }
0x40: {  	_ =	shalt  }
0x41: {  	_ =	shalt  }
0x42: {  	_ =	shalt  }
0x43: {  	_ =	shalt  }
0x44: {  	_ =	shalt  }
0x45: {  	_ =	shalt  }
0x46: {  	_ =	shalt  }
0x47: {  	_ =	shalt  }
0x48: {  	_ =	shalt  }
0x49: {  	_ =	shalt  }
0x4a: {  	_ =	shalt  }
0x4b: {  	_ =	shalt  }
0x4c: {  	_ =	shalt  }
0x4d: {  	_ =	shalt  }
0x4e: {  	_ =	shalt  }
0x4f: {  	_ =	shalt  }
0x50: {  	_ =	shalt  }
0x51: {  	_ =	shalt  }
0x52: {  	_ =	shalt  }
0x53: {  	_ =	shalt  }
0x54: {  	_ =	shalt  }
0x55: {  	_ =	shalt  }
0x56: {  	_ =	shalt  }
0x57: {  	_ =	shalt  }
0x58: {  	_ =	shalt  }
0x59: {  	_ =	shalt  }
0x5a: {  	_ =	shalt  }
0x5b: {  	_ =	shalt  }
0x5c: {  	_ =	shalt  }
0x5d: {  	_ =	shalt  }
0x5e: {  	_ =	shalt  }
0x5f: {  	_ =	shalt  }
0x60: {  	_ =	shalt  }
0x61: {  	_ =	shalt  }
0x62: {  	_ =	shalt  }
0x63: {  	_ =	shalt  }
0x64: {  	_ =	shalt  }
0x65: {  	_ =	shalt  }
0x66: {  	_ =	shalt  }
0x67: {  	_ =	shalt  }
0x68: {  	_ =	shalt  }
0x69: {  	_ =	shalt  }
0x6a: {  	_ =	shalt  }
0x6b: {  	_ =	shalt  }
0x6c: {  	_ =	shalt  }
0x6d: {  	_ =	shalt  }
0x6e: {  	_ =	shalt  }
0x6f: {  	_ =	shalt  }
0x70: {  	_ =	shalt  }
0x71: {  	_ =	shalt  }
0x72: {  	_ =	shalt  }
0x73: {  	_ =	shalt  }
0x74: {  	_ =	shalt  }
0x75: {  	_ =	shalt  }
0x76: {  	_ =	shalt  }
0x77: {  	_ =	shalt  }
0x78: {  	_ =	shalt  }
0x79: {  	_ =	shalt  }
0x7a: {  	_ =	shalt  }
0x7b: {  	_ =	shalt  }
0x7c: {  	_ =	shalt  }
0x7d: {  	_ =	shalt  }
0x7e: {  	_ =	shalt  }
0x7f: {  	_ =	shalt  }
0x80: {  	_ =	shalt  }
0x81: {  	_ =	shalt  }
0x82: {  	_ =	shalt  }
0x83: {  	_ =	shalt  }
0x84: {  	_ =	shalt  }
0x85: {  	_ =	shalt  }
0x86: {  	_ =	shalt  }
0x87: {  	_ =	shalt  }
.Lfunc_end0:
.L_simem_size_0:
called_computation.1_lowered:
.L_overlay_start_0:
0x88: {  	s2 =	sld [smem:$0x3FD9]  }
0x89: {  	s3 =	sld [smem:$0x3FFE];
	_ =	sdelay $0x1  }
0x8a: {  	s1 =	srdreg.scid  }
0x8b: {  	s0 =	sand.u32 $0x1, s1  }
0x8c: {  	s17 =	sshll.u32 s0, $0xA;
	s2 =	sadd.s32 s3, s2  }
0x8d: {  	s2 =	sadd.s32 s2, s17  }
0x8e: {  	[smem:$0x3FBE] =	sst s2  }
0x8f: {  	_ = 	snop  }
0x90: {  	s2 =	sld [smem:$0x3FD0];
	(tm) =	ssettm $0x1  }
0x91: {  	s18 =	sld [smem:$0x3FFB];
	_ =	sdelay $0x3  }
0x92: {  	_ =	strace s18  }
0x93: {  	s3 =	sld [smem:$0x3FFC];
	_ =	sdelay $0x3  }
0x94: {  	_ =	strace s3  }
0x95: {  	s3 =	sld [smem:$0x3FFD];
	_ =	sdelay $0x3  }
0x96: {  	_ =	strace s3  }
0x97: {  	_ =	strace $0x8FFFFFFF  }
0x98: {  	s19 =	sld [smem:$0x3FDB];
	_ =	sdelay $0x1  }
0x99: {  	s4 =	simm.s32 $_scs_section_size  }
0x9a: {  	s5 =	simm.s32 $_size__tile_overlayer_lowered;
	s6 =	simm.s32 $_tile_overlayer_lowered  }
0x9b: {  	s22 =	simm.s32 $0x1BFF;
	s21 =	sshll.u32 s6, $0x1;
	s3 =	sadd.s32 s4, s19  }
0x9c: {  	s7 =	simm.s32 $0x0;
	s20 =	sshll.u32 s5, $0x1;
	s5 =	sadd.s32 s21, s3  }
0x9d: {  	[timem:s7], [sflag:s22] =	dma.local [hbm:s5], s20  }
0x9e: {  	_ =	swait.ge [sflag:s22], s20  }
0x9f: {  	s4 =	ssub.s32 $0x0, s20;
	[sflag:s22] =	ssyncset.done $0x0  }
0xa0: {  	[sflag:s22] =	ssyncadd.s32 s4;
	_ =	sdelay $0x1  }
0xa1: {  	s23 =	simm.s32 $0x1B8B  }
0xa2: {  	_ =	swait.ge [sflag:s23], $0x1  }
0xa3: {  	[sflag:s23] =	ssyncset.done $0x0  }
0xa4: {  	s25 =	simm.s32 $0x1B8E;
	s24 =	sld [smem:$0x3FFE];
	[sflag:s23] =	ssyncadd.s32 $0xFFFFFFFF  }
0xa5: {  	s26 =	simm.s32 $execute0_lowered;
	[smem:$0x3FD2] =	sst s25  }
0xa6: {  	s5 =	sshll.u32 s26, $0x1;
	_ =	strace $0x80000049;
	[dreg:$0x1] =	wrdreg $0xFFFFFFFF  }
0xa7: {  	s28 =	simm.s32 $_size_execute0_lowered;
	s3 =	sadd.s32 s3, s5;
	[dreg:$0x0] =	wrdreg $0x0  }
0xa8: {  	s5 =	sshll.u32 s28, $0x1;
	[dreg:$0x2] =	wrdreg s3  }
0xa9: {  	[dreg:$0x3] =	wrdreg s5  }
0xaa: {  	[dreg:$0x4] =	wrdreg $0xC0  }
0xab: {  	_ =	task [dreg:s7], $0x5FFFF  }
0xac: {  	[dreg:$0x1] =	wrdreg $0xFFFFFFFF  }
0xad: {  	[dreg:$0x0] =	wrdreg $0x60  }
0xae: {  	[dreg:$0x2] =	wrdreg s24  }
0xaf: {  	[dreg:$0x3] =	wrdreg s2  }
0xb0: {  	[dreg:$0x4] =	wrdreg $0xC0000  }
0xb1: {  	[dreg:$0x5] =	wrdreg $0x9  }
0xb2: {  	_ =	task.clear_ibuf [dreg:s7], $0x6FFFF;
	_ =	strace $0x90000049  }
0xb3: {  	s29 =	simm.s32 $0x9;
	_ =	strace $0x8000004B  }
0xb4: {  	_ =	swait.ge [sflag:s29], $0x1  }
0xb5: {  	[sflag:s29] =	ssyncadd.s32 $0xFFFFFFFF  }
0xb6: {  	_ =	strace $0x9000004B  }
0xb7: {  	_ =	sfence  }
0xb8: {  	s30 =	sld [smem:$0x0];
	_ =	sdelay $0x2  }
0xb9: {  	s31 =	sshll.u32 s1, $0xD;
	s1 =	sshrl.u32 s1, $0x2  }
0xba: {  	s3 =	sand.u32 $0x4000, s31;
	s1 =	sadd.s32 s1, s30  }
0xbb: {  	s0 =	sor.u32 s3, s0;
	s1 =	sshll.u32 s1, $0x11  }
0xbc: {  	s0 =	sor.u32 s1, s0  }
0xbd: {  	s0 =	sadd.s32 $0x8F2B, s0  }
0xbe: {  	[sflag:s0] =	ssyncadd.remote.s32 $0x1  }
0xbf: {  	_ =	sfence.sel $0xFFFF  }
0xc0: {  	[dreg:$0x0] =	wrdreg $0xFFFFFFFF;
	(pc) =	sbr.abs _section_cstart, $3  }
0xc1: {  	[dreg:$0x1] =	wrdreg $0xFFFFFFFF  }
0xc2: {  	_ =	task.clear_ibuf [dreg:s7], $0x2FFFF;
	_ =	strace $0x9FFFFFFF  }
0xc3: {  	(tm) =	ssettm $0x7FFFFFFF  }
tec
execute0_lowered:
.L_overlay_start_1:
0x0: {  	(tag) =	ssettag $0x1  }
0x1: {  	s1 =	srdreg.scid;
	s5 =	rddreg [dreg:$0x0]  }
0x2: {  	s0 =	stileid.u32;
	s8 =	rddreg [dreg:$0x1]  }
0x3: {  	s2 =	rddreg [dreg:$0x2];
	s3 =	simm.s32 $0x0;
	s15 =	simm.s32 $0xA000  }
0x4: {  	s16 =	simm.s32 $0x1;
	s17 =	simm.s32 $0x0;
	s6 =	sand.u32 $0x1, s1  }
0x5: {  	s30 =	sshll.u32 s0, $0x1;
	s7 =	smul.u32 $0xA000, s0;
	[smem:$0x7FF] =	sst s3  }
0x6: {  	s4 =	sadd.s32 $0x1E200, s5;
	s1 =	sor.u32 s6, s30;
	s10 =	smul.u32 $0xA0000, s6  }
0x7: {  	s31 =	sshll.u32 s0, $0x6;
	s6 =	ssub.s32 $0x2, s6;
	s9 =	smul.u32 $0xA00, s1  }
0x8: {  	s1 =	rddreg [dreg:$0x3];
	_ =	strace $0x8000004A;
	s12 =	sshrl.u32 s7, $0x3  }
0x9: {  	s13 =	sshrl.u32 s6, $0x1;
	s14 =	sadd.s32 s7, s2;
	s10 =	sadd.s32 s7, s10  }
0xa: {  	s12 =	sadd.s32 s12, s5;
	s13 =	ssub.s32 s6, s13;
	s6 =	sor.u32 $0x1C02, s31  }
0xb: {  	s11 =	sadd.s32 s9, s5;
	s10 =	sshrl.u32 s10, $0x3;
	s8 =	sadd.s32 s8, s9  }
0xc: {  	s10 =	sadd.s32 s10, s5;
	s5 =	sadd.s32 $0x31C00, s12;
	s7 =	sadd.s32 $0xA200, s11  }
0xd: {  	s11 =	sshrl.u32 s14, $0x3;
	s12 =	simm.s32 $0x2;
	s14 =	simm.s32 $0x80  }
0xe: {  	s9 =	sadd.s32 $0x45C00, s10;
	s10 =	smax.u32 s13, $0x1;
	s13 =	simm.s32 $0x5000  }
.LBB2_1:
0xf: {  	[spmem:s11], [sflag:s6] =	dma.local [hbm:s5], $0x1400  }
0x10: {  	_ =	swait.ge [sflag:s12], $0x1400  }
0x11: {  	[sflag:s12] =	ssyncset.done $0x0  }
0x12: {  	[sflag:s12] =	ssyncadd.s32 $0xFFFFEC00  }
0x13: {  	[tilespmem:s3], [sflag:$0x2] =	stream.linear.gather [hbm4b:s7+s3], $0x5000, $0x38;
	[tilespmem:$0x16000] =	vst v63  }
0x14: {  	_ =	swait.ge [sflag:s12], $0x5000  }
0x15: {  	[sflag:s12] =	ssyncset.done $0x0  }
0x16: {  	[sflag:s12] =	ssyncadd.s32 $0xFFFFB000  }
0x17: {  	[tilespmem:s13], [sflag:$0x2] =	stream.linear.gather [hbm4b:s8+s3], $0x5000, $0x38;
	[tilespmem:$0x16000] =	vst v63  }
0x18: {  	_ =	swait.ge [sflag:s12], $0x5000  }
0x19: {  	[sflag:s12] =	ssyncset.done $0x0  }
0x1a: {  	[sflag:s12] =	ssyncadd.s32 $0xFFFFB000  }
0x1b: {  	s18 =	simm.s32 $0x0;
	[bflag:$0x0] =	sbarrier.arrive $0xFFFF  }
0x1c: {  	[tilespmem:s15], [sflag:$0x1] =	stream.indirect.gather [hbm4b:s4+s14], $0x40, s18, s14, $0xb8;
	[tilespmem:$0x16000] =	vst v63  }
0x1d: {  	_ =	swait.ge [sflag:s16], $0x2000  }
0x1e: {  	[sflag:s16] =	ssyncset.done $0x0  }
0x1f: {  	s31 =	simm.s32 $0x5000;
	[sflag:s16] =	ssyncadd.s32 $0xFFFFE000  }
0x20: {  	[spmem:s2] =	stream.indirect.scatter.add.f32 [tilespmem:s15], [sflag:$0x2], $0x40, s31, s14, $0xb8;
	[tilespmem:$0x16000] =	vst v63  }
0x21: {  	_ =	swait.ge [sflag:s12], $0x2000  }
0x22: {  	s19 =	simm.s32 $0x400;
	s18 =	simm.s32 $0x200;
	[sflag:s12] =	ssyncset.done $0x0  }
.LBB2_2:
0x23: {  	s20 =	sshra.s32 s18, $0x2  }
0x24: {  	[sflag:s12] =	ssyncadd.s32 $0xFFFFE000;
	s18 =	smov.u32 s19;
	s21 =	sadd.s32 $0x200, s19  }
0x25: {  	[tilespmem:s15], [sflag:$0x1] =	stream.indirect.gather [hbm4b:s4+s14], $0x40, s20, s14, $0xb8;
	[tilespmem:$0x16000] =	vst v63  }
0x26: {  	p0 =	sne.s32 s19, $0x13E00;
	_ =	swait.ge [sflag:s16], $0x2000  }
.Ltmp0:
0x27: {  	[sflag:s16] =	ssyncset.done $0x0;
	(pc) =	sbr.rel @p0 .LBB2_2-.Ltmp0, $4  }
0x28: {  	s19 =	sadd.s32 $0x5000, s20;
	[sflag:s16] =	ssyncadd.s32 $0xFFFFE000  }
0x29: {  	[spmem:s2] =	stream.indirect.scatter.add.f32 [tilespmem:s15], [sflag:$0x2], $0x40, s19, s14, $0xb8;
	[tilespmem:$0x16000] =	vst v63  }
0x2a: {  	_ =	swait.ge [sflag:s12], $0x2000  }
0x2b: {  	s19 =	smov.u32 s21;
	[sflag:s12] =	ssyncset.done $0x0  }
0x2c: {  	s18 =	sshra.s32 s18, $0x2;
	[sflag:s12] =	ssyncadd.s32 $0xFFFFE000  }
0x2d: {  	[tilespmem:s15], [sflag:$0x1] =	stream.indirect.gather [hbm4b:s4+s14], $0x40, s18, s14, $0xb8;
	[tilespmem:$0x16000] =	vst v63  }
0x2e: {  	_ =	swait.ge [sflag:s16], $0x2000  }
0x2f: {  	[sflag:s16] =	ssyncset.done $0x0  }
0x30: {  	s18 =	sadd.s32 $0x5000, s18;
	[sflag:s16] =	ssyncadd.s32 $0xFFFFE000  }
0x31: {  	[spmem:s2] =	stream.indirect.scatter.add.f32 [tilespmem:s15], [sflag:$0x2], $0x40, s18, s14, $0xb8;
	[tilespmem:$0x16000] =	vst v63  }
0x32: {  	_ =	swait.ge [sflag:s12], $0x2000  }
0x33: {  	s17 =	sadd.s32 $0x1, s17;
	[sflag:s12] =	ssyncset.done $0x0  }
0x34: {  	p0 =	sne.s32 s17, s10;
	[sflag:s12] =	ssyncadd.s32 $0xFFFFE000  }
.Ltmp1:
0x35: {  	[bflag:$0x0] =	sbarrier.arrive $0xFFFF;
	(pc) =	sbr.rel @p0 .LBB2_1-.Ltmp1, $4  }
0x36: {  	[hbm:s9], [sflag:s6] =	dma.local [spmem:s11], $0x1400  }
0x37: {  	_ =	swait.ge [sflag:s12], $0x1400  }
0x38: {  	[sflag:s12] =	ssyncset.done $0x0  }
0x39: {  	[sflag:s12] =	ssyncadd.s32 $0xFFFFEC00  }
0x3a: {  	_ =	sfence.sel $0x180000  }
0x3b: {  	[bflag:$0x0] =	sbarrier.arrive $0xFFFF  }
0x3c: {  	p0 =	sne.s32 s0, $0x0;
	_ =	strace $0x9000004A  }
0x3d: {  	s0 =	sadd.s32 @!p0 $0x100000, s1;
	[bflag:$0x2] =	sbarrier.arrive $0xFFFF  }
0x3e: {  	[sflag:s0] =	ssyncadd.tile.s32 @!p0 $0x1;
	_ =	shalt  }
.Lfunc_end2:
_tile_overlayer_lowered:
.L_overlay_start_2:
0x3f: {  	(tag) =	ssettag $0x2  }
0x40: {  	s0 =	rddreg [dreg:$0x0];
	s2 =	stileid.u32  }
0x41: {  	s1 =	rddreg [dreg:$0x1];
	p0 =	sne.s32 s2, $0x0  }
0x42: {  	s3 =	rddreg [dreg:$0x2];
	[bflag:$0x3] =	sbarrier.arrive $0xFFFF;
	s2 =	simm.s32 @!p0 $0x1C02  }
0x43: {  	[timem:s3], [sflag:s2] =	dma.local @!p0 [hbm:s0], s1  }
0x44: {  	s0 =	simm.s32 @!p0 $0x2  }
0x45: {  	_ =	swait.ge @!p0 [sflag:s0], s1  }
0x46: {  	s1 =	ssub.s32 @!p0 $0x0, s1;
	[sflag:s0] =	ssyncset.done @!p0 $0x0  }
0x47: {  	[sflag:s0] =	ssyncadd.s32 @!p0 s1  }
0x48: {  	[bflag:$0x3] =	sbarrier.arrive $0xFFFF  }
0x49: {  	_ =	shalt  }

// kernel: kernel.14.cloned.1.call-start
scs
__scs_entry_jumppad:
0x0: {  	(pc) =	sbr.rel $0x88, $3  }
0x1: {  	(tag) =	ssettag $0x0;
	lr =	simm.s32 $0x1  }
0x2: {  	[smem:$0x3F97] =	sst lr;
	_ =	strace $0xD0000000  }
0x3: {  	_ = 	snop  }
0x4: {  	_ = 	snop  }
0x5: {  	_ = 	snop  }
0x6: {  	_ = 	snop  }
0x7: {  	_ = 	snop  }
__scs_overlays_trampoline_lowered:
0x8: {  	[smem:$0x3FA6] =	sst s0  }
0x9: {  	[smem:$0x3FA7] =	sst s1  }
0xa: {  	[smem:$0x3FA8] =	sst s2  }
0xb: {  	[smem:$0x3FA9] =	sst s3  }
0xc: {  	[smem:$0x3FAA] =	sst s4  }
0xd: {  	[smem:$0x3FAB] =	sst s5  }
0xe: {  	[smem:$0x3FAC] =	sst s6  }
0xf: {  	[smem:$0x3FAD] =	sst s7  }
0x10: {  	[smem:$0x3FAE] =	sst s8  }
0x11: {  	[smem:$0x3FAF] =	sst s9;
	s0 =	simm.s32 @!p0 $0x0  }
0x12: {  	s1 =	sld [smem:$0x3F95];
	s0 =	simm.s32 @p0 $0x1  }
0x13: {  	[smem:$0x3FB0] =	sst s0;
	s0 =	simm.s32 @!p1 $0x0  }
0x14: {  	s2 =	sld [smem:$0x3F94];
	s0 =	simm.s32 @p1 $0x1  }
0x15: {  	[smem:$0x3FB1] =	sst s0;
	s0 =	simm.s32 @!p2 $0x0  }
0x16: {  	s3 =	sld [smem:$0x3FDB];
	s0 =	simm.s32 @p2 $0x1  }
0x17: {  	s4 =	simm.s32 $0x1BF5;
	[smem:$0x3FB3] =	sst s0  }
0x18: {  	s0 =	sld [smem:$0x3F96];
	_ =	swait.ge [sflag:s4], $0x0  }
0x19: {  	s7 =	sld [smem:$0x3F97]  }
0x1a: {  	s8 =	sadd.s32 $0xFFFFE003, lr  }
0x1b: {  	s9 =	sadd.s32 $0xFFFFFEF7, lr;
	s5 =	simm.s32 $0xFFFFFFFF;
	p2 =	slt.u32 s8, $0xFFFFF086  }
0x1c: {  	p1 =	slt.u32 s9, $0xF7A;
	s5 =	simm.s32 @!p2 $0x0  }
0x1d: {  	s5 =	simm.s32 @p1 $0x1;
	p0 =	seq.s32 s7, s2  }
0x1e: {  	s7 =	smul.u32 @!p0 $0xF7A, s2;
	p2 =	seq.s32 @!p0 s5, $0x0  }
0x1f: {  	s9 =	smul.u32 $0xF7A, s1;
	s8 =	simm.s32 @!p0 $0x1BF5;
	p2 =	por !p2, p0  }
0x20: {  	[sflag:s8] =	ssyncset.s32 @!p0 $0xFFFFF086;
	s6 =	sadd.s32 @!p0 s3, s7;
	s7 =	simm.s32 @!p0 $0x108  }
0x21: {  	s3 =	sadd.s32 s3, s9;
	s6 =	sadd.s32 @!p0 $0x88, s6;
	s7 =	simm.s32 @p2 $0x1082  }
0x22: {  	[simem:s7], [sflag:s8] =	dma.local @!p0 [hbm:s6], $0xF7A  }
0x23: {  	s9 =	sor.u32 $0xD0000000, s2;
	s6 =	simm.s32 $0x108;
	_ =	swait.ge @!p0 [sflag:s8], $0x0  }
0x24: {  	s3 =	sadd.s32 $0x88, s3;
	s6 =	simm.s32 @!p1 $0x1082;
	[sflag:s4] =	ssyncset.s32 $0xFFFFF086  }
0x25: {  	[simem:s6], [sflag:s4] =	dma.local [hbm:s3], $0xF7A  }
0x26: {  	[smem:$0x3F97] =	sst s1;
	(tag) =	ssettag s2;
	_ =	strace s9  }
0x27: {  	s1 =	sld [smem:$0x3FA7]  }
0x28: {  	s2 =	sld [smem:$0x3FA8]  }
0x29: {  	s4 =	sld [smem:$0x3FAA]  }
0x2a: {  	p0 =	seq.s32 s5, $0x0;
	s5 =	sld [smem:$0x3FAB]  }
0x2b: {  	s6 =	sld [smem:$0x3FAC]  }
0x2c: {  	s7 =	sld [smem:$0x3FAD]  }
0x2d: {  	s3 =	simm.s32 $0x108;
	s8 =	sld [smem:$0x3FAE]  }
0x2e: {  	s3 =	simm.s32 @!p0 $0x1082;
	s9 =	sld [smem:$0x3FAF]  }
0x2f: {  	lr =	sadd.s32 s0, s3;
	s0 =	sld [smem:$0x3FA6]  }
0x30: {  	s3 =	sld [smem:$0x3FA9]  }
0x31: {  	[smem:$0x3FB2] =	sst s10  }
0x32: {  	s10 =	sld [smem:$0x3FB0];
	_ =	sdelay $0x3  }
0x33: {  	p0 =	seq.s32 s10, $0x1;
	s10 =	sld [smem:$0x3FB2];
	_ =	sdelay $0x3  }
0x34: {  	[smem:$0x3FB2] =	sst s10  }
0x35: {  	s10 =	sld [smem:$0x3FB1];
	_ =	sdelay $0x3  }
0x36: {  	p1 =	seq.s32 s10, $0x1;
	s10 =	sld [smem:$0x3FB2];
	_ =	sdelay $0x3  }
0x37: {  	[smem:$0x3FB2] =	sst s10  }
0x38: {  	s10 =	sld [smem:$0x3FB3]  }
0x39: {  	_ = 	snop;
	(pc) =	sbr.ind lr, $3  }
0x3a: {  	_ = 	snop  }
0x3b: {  	_ = 	snop  }
0x3c: {  	p2 =	seq.s32 s10, $0x1;
	s10 =	sld [smem:$0x3FB2]  }
0x3d: {  	_ =	shalt  }
0x3e: {  	_ =	shalt  }
0x3f: {  	_ =	shalt  }
0x40: {  	_ =	shalt  }
0x41: {  	_ =	shalt  }
0x42: {  	_ =	shalt  }
0x43: {  	_ =	shalt  }
0x44: {  	_ =	shalt  }
0x45: {  	_ =	shalt  }
0x46: {  	_ =	shalt  }
0x47: {  	_ =	shalt  }
0x48: {  	_ =	shalt  }
0x49: {  	_ =	shalt  }
0x4a: {  	_ =	shalt  }
0x4b: {  	_ =	shalt  }
0x4c: {  	_ =	shalt  }
0x4d: {  	_ =	shalt  }
0x4e: {  	_ =	shalt  }
0x4f: {  	_ =	shalt  }
0x50: {  	_ =	shalt  }
0x51: {  	_ =	shalt  }
0x52: {  	_ =	shalt  }
0x53: {  	_ =	shalt  }
0x54: {  	_ =	shalt  }
0x55: {  	_ =	shalt  }
0x56: {  	_ =	shalt  }
0x57: {  	_ =	shalt  }
0x58: {  	_ =	shalt  }
0x59: {  	_ =	shalt  }
0x5a: {  	_ =	shalt  }
0x5b: {  	_ =	shalt  }
0x5c: {  	_ =	shalt  }
0x5d: {  	_ =	shalt  }
0x5e: {  	_ =	shalt  }
0x5f: {  	_ =	shalt  }
0x60: {  	_ =	shalt  }
0x61: {  	_ =	shalt  }
0x62: {  	_ =	shalt  }
0x63: {  	_ =	shalt  }
0x64: {  	_ =	shalt  }
0x65: {  	_ =	shalt  }
0x66: {  	_ =	shalt  }
0x67: {  	_ =	shalt  }
0x68: {  	_ =	shalt  }
0x69: {  	_ =	shalt  }
0x6a: {  	_ =	shalt  }
0x6b: {  	_ =	shalt  }
0x6c: {  	_ =	shalt  }
0x6d: {  	_ =	shalt  }
0x6e: {  	_ =	shalt  }
0x6f: {  	_ =	shalt  }
0x70: {  	_ =	shalt  }
0x71: {  	_ =	shalt  }
0x72: {  	_ =	shalt  }
0x73: {  	_ =	shalt  }
0x74: {  	_ =	shalt  }
0x75: {  	_ =	shalt  }
0x76: {  	_ =	shalt  }
0x77: {  	_ =	shalt  }
0x78: {  	_ =	shalt  }
0x79: {  	_ =	shalt  }
0x7a: {  	_ =	shalt  }
0x7b: {  	_ =	shalt  }
0x7c: {  	_ =	shalt  }
0x7d: {  	_ =	shalt  }
0x7e: {  	_ =	shalt  }
0x7f: {  	_ =	shalt  }
0x80: {  	_ =	shalt  }
0x81: {  	_ =	shalt  }
0x82: {  	_ =	shalt  }
0x83: {  	_ =	shalt  }
0x84: {  	_ =	shalt  }
0x85: {  	_ =	shalt  }
0x86: {  	_ =	shalt  }
0x87: {  	_ =	shalt  }
.Lfunc_end0:
.L_simem_size_0:
called_computation.2_lowered:
.L_overlay_start_0:
0x88: {  	s2 =	sld [smem:$0x3FD9]  }
0x89: {  	s3 =	sld [smem:$0x3FFE];
	_ =	sdelay $0x1  }
0x8a: {  	s1 =	srdreg.scid  }
0x8b: {  	s0 =	sand.u32 $0x1, s1  }
0x8c: {  	s17 =	sshll.u32 s0, $0xA;
	s2 =	sadd.s32 s3, s2  }
0x8d: {  	s2 =	sadd.s32 s2, s17  }
0x8e: {  	[smem:$0x3FBE] =	sst s2  }
0x8f: {  	_ = 	snop  }
0x90: {  	s2 =	sld [smem:$0x3FD0];
	(tm) =	ssettm $0x1  }
0x91: {  	s18 =	sld [smem:$0x3FFB];
	_ =	sdelay $0x3  }
0x92: {  	_ =	strace s18  }
0x93: {  	s3 =	sld [smem:$0x3FFC];
	_ =	sdelay $0x3  }
0x94: {  	_ =	strace s3  }
0x95: {  	s3 =	sld [smem:$0x3FFD];
	_ =	sdelay $0x3  }
0x96: {  	_ =	strace s3  }
0x97: {  	_ =	strace $0x8FFFFFFF  }
0x98: {  	s19 =	sld [smem:$0x3FDB];
	_ =	sdelay $0x1  }
0x99: {  	s4 =	simm.s32 $_scs_section_size  }
0x9a: {  	s5 =	simm.s32 $_size__tile_overlayer_lowered;
	s6 =	simm.s32 $_tile_overlayer_lowered  }
0x9b: {  	s22 =	simm.s32 $0x1BFF;
	s21 =	sshll.u32 s6, $0x1;
	s3 =	sadd.s32 s4, s19  }
0x9c: {  	s7 =	simm.s32 $0x0;
	s20 =	sshll.u32 s5, $0x1;
	s5 =	sadd.s32 s21, s3  }
0x9d: {  	[timem:s7], [sflag:s22] =	dma.local [hbm:s5], s20  }
0x9e: {  	_ =	swait.ge [sflag:s22], s20  }
0x9f: {  	s4 =	ssub.s32 $0x0, s20;
	[sflag:s22] =	ssyncset.done $0x0  }
0xa0: {  	[sflag:s22] =	ssyncadd.s32 s4;
	_ =	sdelay $0x1  }
0xa1: {  	s23 =	simm.s32 $0x1B8B  }
0xa2: {  	_ =	swait.ge [sflag:s23], $0x1  }
0xa3: {  	[sflag:s23] =	ssyncset.done $0x0  }
0xa4: {  	s25 =	simm.s32 $0x1B8E;
	s24 =	sld [smem:$0x3FFE];
	[sflag:s23] =	ssyncadd.s32 $0xFFFFFFFF  }
0xa5: {  	s26 =	simm.s32 $execute0_lowered;
	[smem:$0x3FD2] =	sst s25  }
0xa6: {  	s5 =	sshll.u32 s26, $0x1;
	_ =	strace $0x8000004C;
	[dreg:$0x1] =	wrdreg $0xFFFFFFFF  }
0xa7: {  	s28 =	simm.s32 $_size_execute0_lowered;
	s3 =	sadd.s32 s3, s5;
	[dreg:$0x0] =	wrdreg $0x0  }
0xa8: {  	s5 =	sshll.u32 s28, $0x1;
	[dreg:$0x2] =	wrdreg s3  }
0xa9: {  	[dreg:$0x3] =	wrdreg s5  }
0xaa: {  	[dreg:$0x4] =	wrdreg $0xC0  }
0xab: {  	_ =	task [dreg:s7], $0x5FFFF  }
0xac: {  	[dreg:$0x1] =	wrdreg $0xFFFFFFFF  }
0xad: {  	[dreg:$0x0] =	wrdreg $0x60  }
0xae: {  	[dreg:$0x2] =	wrdreg s24  }
0xaf: {  	[dreg:$0x3] =	wrdreg s2  }
0xb0: {  	[dreg:$0x4] =	wrdreg $0xB0000  }
0xb1: {  	[dreg:$0x5] =	wrdreg $0x9  }
0xb2: {  	_ =	task.clear_ibuf [dreg:s7], $0x6FFFF;
	_ =	strace $0x9000004C  }
0xb3: {  	s29 =	simm.s32 $0x9;
	_ =	strace $0x8000004E  }
0xb4: {  	_ =	swait.ge [sflag:s29], $0x1  }
0xb5: {  	[sflag:s29] =	ssyncadd.s32 $0xFFFFFFFF  }
0xb6: {  	_ =	strace $0x9000004E  }
0xb7: {  	_ =	sfence  }
0xb8: {  	s30 =	sld [smem:$0x0];
	_ =	sdelay $0x2  }
0xb9: {  	s31 =	sshll.u32 s1, $0xD;
	s1 =	sshrl.u32 s1, $0x2  }
0xba: {  	s3 =	sand.u32 $0x4000, s31;
	s1 =	sadd.s32 s1, s30  }
0xbb: {  	s0 =	sor.u32 s3, s0;
	s1 =	sshll.u32 s1, $0x11  }
0xbc: {  	s0 =	sor.u32 s1, s0  }
0xbd: {  	s0 =	sadd.s32 $0x8F2B, s0  }
0xbe: {  	[sflag:s0] =	ssyncadd.remote.s32 $0x1  }
0xbf: {  	_ =	sfence.sel $0xFFFF  }
0xc0: {  	[dreg:$0x0] =	wrdreg $0xFFFFFFFF;
	(pc) =	sbr.abs _section_cstart, $3  }
0xc1: {  	[dreg:$0x1] =	wrdreg $0xFFFFFFFF  }
0xc2: {  	_ =	task.clear_ibuf [dreg:s7], $0x2FFFF;
	_ =	strace $0x9FFFFFFF  }
0xc3: {  	(tm) =	ssettm $0x7FFFFFFF  }
tec
execute0_lowered:
.L_overlay_start_1:
0x0: {  	(tag) =	ssettag $0x1  }
0x1: {  	s1 =	srdreg.scid;
	s5 =	rddreg [dreg:$0x0]  }
0x2: {  	s0 =	stileid.u32;
	s8 =	rddreg [dreg:$0x1]  }
0x3: {  	s2 =	rddreg [dreg:$0x2];
	s3 =	simm.s32 $0x0;
	s15 =	simm.s32 $0xA000  }
0x4: {  	s16 =	simm.s32 $0x1;
	s17 =	simm.s32 $0x0;
	s6 =	sand.u32 $0x1, s1  }
0x5: {  	s30 =	sshll.u32 s0, $0x1;
	s7 =	smul.u32 $0x5000, s0;
	[smem:$0x7FF] =	sst s3  }
0x6: {  	s4 =	sadd.s32 $0x1E200, s5;
	s1 =	sor.u32 s6, s30;
	s10 =	smul.u32 $0x50000, s6  }
0x7: {  	s31 =	sshll.u32 s0, $0x6;
	s6 =	ssub.s32 $0x2, s6;
	s9 =	smul.u32 $0xA00, s1  }
0x8: {  	s1 =	rddreg [dreg:$0x3];
	_ =	strace $0x8000004D;
	s12 =	sshrl.u32 s7, $0x3  }
0x9: {  	s13 =	sshrl.u32 s6, $0x1;
	s14 =	sadd.s32 s7, s2;
	s10 =	sadd.s32 s7, s10  }
0xa: {  	s12 =	sadd.s32 s12, s5;
	s13 =	ssub.s32 s6, s13;
	s6 =	sor.u32 $0x1C02, s31  }
0xb: {  	s11 =	sadd.s32 s9, s5;
	s10 =	sshrl.u32 s10, $0x3;
	s8 =	sadd.s32 s8, s9  }
0xc: {  	s10 =	sadd.s32 s10, s5;
	s5 =	sadd.s32 $0x28000, s12;
	s7 =	sadd.s32 $0xA200, s11  }
0xd: {  	s11 =	sshrl.u32 s14, $0x3;
	s12 =	simm.s32 $0x2;
	s14 =	simm.s32 $0x80  }
0xe: {  	s9 =	sadd.s32 $0x32000, s10;
	s10 =	smax.u32 s13, $0x1;
	s13 =	simm.s32 $0x5000  }
.LBB2_1:
0xf: {  	[spmem:s11], [sflag:s6] =	dma.local [hbm:s5], $0xA00  }
0x10: {  	_ =	swait.ge [sflag:s12], $0xA00  }
0x11: {  	[sflag:s12] =	ssyncset.done $0x0  }
0x12: {  	[sflag:s12] =	ssyncadd.s32 $0xFFFFF600  }
0x13: {  	[tilespmem:s3], [sflag:$0x2] =	stream.linear.gather [hbm4b:s7+s3], $0x5000, $0x38;
	[tilespmem:$0x10000] =	vst v63  }
0x14: {  	_ =	swait.ge [sflag:s12], $0x5000  }
0x15: {  	[sflag:s12] =	ssyncset.done $0x0  }
0x16: {  	[sflag:s12] =	ssyncadd.s32 $0xFFFFB000  }
0x17: {  	[tilespmem:s13], [sflag:$0x2] =	stream.linear.gather [hbm4b:s8+s3], $0x5000, $0x38;
	[tilespmem:$0x10000] =	vst v63  }
0x18: {  	_ =	swait.ge [sflag:s12], $0x5000  }
0x19: {  	[sflag:s12] =	ssyncset.done $0x0  }
0x1a: {  	[sflag:s12] =	ssyncadd.s32 $0xFFFFB000  }
0x1b: {  	s18 =	simm.s32 $0x0;
	[bflag:$0x0] =	sbarrier.arrive $0xFFFF  }
0x1c: {  	[tilespmem:s15], [sflag:$0x1] =	stream.indirect.gather [hbm4b:s4+s14], $0x20, s18, s14, $0xb8;
	[tilespmem:$0x10000] =	vst v63  }
0x1d: {  	_ =	swait.ge [sflag:s16], $0x1000  }
0x1e: {  	[sflag:s16] =	ssyncset.done $0x0  }
0x1f: {  	s31 =	simm.s32 $0x5000;
	[sflag:s16] =	ssyncadd.s32 $0xFFFFF000  }
0x20: {  	[spmem:s2] =	stream.indirect.scatter.add.f32 [tilespmem:s15], [sflag:$0x2], $0x20, s31, s14, $0xb8;
	[tilespmem:$0x10000] =	vst v63  }
0x21: {  	_ =	swait.ge [sflag:s12], $0x1000  }
0x22: {  	s19 =	simm.s32 $0x400;
	s18 =	simm.s32 $0x200;
	[sflag:s12] =	ssyncset.done $0x0  }
.LBB2_2:
0x23: {  	s20 =	sshra.s32 s18, $0x2  }
0x24: {  	[sflag:s12] =	ssyncadd.s32 $0xFFFFF000;
	s18 =	smov.u32 s19;
	s21 =	sadd.s32 $0x200, s19  }
0x25: {  	[tilespmem:s15], [sflag:$0x1] =	stream.indirect.gather [hbm4b:s4+s14], $0x20, s20, s14, $0xb8;
	[tilespmem:$0x10000] =	vst v63  }
0x26: {  	p0 =	sne.s32 s19, $0x13E00;
	_ =	swait.ge [sflag:s16], $0x1000  }
.Ltmp0:
0x27: {  	[sflag:s16] =	ssyncset.done $0x0;
	(pc) =	sbr.rel @p0 .LBB2_2-.Ltmp0, $4  }
0x28: {  	s19 =	sadd.s32 $0x5000, s20;
	[sflag:s16] =	ssyncadd.s32 $0xFFFFF000  }
0x29: {  	[spmem:s2] =	stream.indirect.scatter.add.f32 [tilespmem:s15], [sflag:$0x2], $0x20, s19, s14, $0xb8;
	[tilespmem:$0x10000] =	vst v63  }
0x2a: {  	_ =	swait.ge [sflag:s12], $0x1000  }
0x2b: {  	s19 =	smov.u32 s21;
	[sflag:s12] =	ssyncset.done $0x0  }
0x2c: {  	s18 =	sshra.s32 s18, $0x2;
	[sflag:s12] =	ssyncadd.s32 $0xFFFFF000  }
0x2d: {  	[tilespmem:s15], [sflag:$0x1] =	stream.indirect.gather [hbm4b:s4+s14], $0x20, s18, s14, $0xb8;
	[tilespmem:$0x10000] =	vst v63  }
0x2e: {  	_ =	swait.ge [sflag:s16], $0x1000  }
0x2f: {  	[sflag:s16] =	ssyncset.done $0x0  }
0x30: {  	s18 =	sadd.s32 $0x5000, s18;
	[sflag:s16] =	ssyncadd.s32 $0xFFFFF000  }
0x31: {  	[spmem:s2] =	stream.indirect.scatter.add.f32 [tilespmem:s15], [sflag:$0x2], $0x20, s18, s14, $0xb8;
	[tilespmem:$0x10000] =	vst v63  }
0x32: {  	_ =	swait.ge [sflag:s12], $0x1000  }
0x33: {  	s17 =	sadd.s32 $0x1, s17;
	[sflag:s12] =	ssyncset.done $0x0  }
0x34: {  	p0 =	sne.s32 s17, s10;
	[sflag:s12] =	ssyncadd.s32 $0xFFFFF000  }
.Ltmp1:
0x35: {  	[bflag:$0x0] =	sbarrier.arrive $0xFFFF;
	(pc) =	sbr.rel @p0 .LBB2_1-.Ltmp1, $4  }
0x36: {  	[hbm:s9], [sflag:s6] =	dma.local [spmem:s11], $0xA00  }
0x37: {  	_ =	swait.ge [sflag:s12], $0xA00  }
0x38: {  	[sflag:s12] =	ssyncset.done $0x0  }
0x39: {  	[sflag:s12] =	ssyncadd.s32 $0xFFFFF600  }
0x3a: {  	_ =	sfence.sel $0x180000  }
0x3b: {  	[bflag:$0x0] =	sbarrier.arrive $0xFFFF  }
0x3c: {  	p0 =	sne.s32 s0, $0x0;
	_ =	strace $0x9000004D  }
0x3d: {  	s0 =	sadd.s32 @!p0 $0x100000, s1;
	[bflag:$0x2] =	sbarrier.arrive $0xFFFF  }
0x3e: {  	[sflag:s0] =	ssyncadd.tile.s32 @!p0 $0x1;
	_ =	shalt  }
.Lfunc_end2:
_tile_overlayer_lowered:
.L_overlay_start_2:
0x3f: {  	(tag) =	ssettag $0x2  }
0x40: {  	s0 =	rddreg [dreg:$0x0];
	s2 =	stileid.u32  }
0x41: {  	s1 =	rddreg [dreg:$0x1];
	p0 =	sne.s32 s2, $0x0  }
0x42: {  	s3 =	rddreg [dreg:$0x2];
	[bflag:$0x3] =	sbarrier.arrive $0xFFFF;
	s2 =	simm.s32 @!p0 $0x1C02  }
0x43: {  	[timem:s3], [sflag:s2] =	dma.local @!p0 [hbm:s0], s1  }
0x44: {  	s0 =	simm.s32 @!p0 $0x2  }
0x45: {  	_ =	swait.ge @!p0 [sflag:s0], s1  }
0x46: {  	s1 =	ssub.s32 @!p0 $0x0, s1;
	[sflag:s0] =	ssyncset.done @!p0 $0x0  }
0x47: {  	[sflag:s0] =	ssyncadd.s32 @!p0 s1  }
0x48: {  	[bflag:$0x3] =	sbarrier.arrive $0xFFFF  }
0x49: {  	_ =	shalt  }

// kernel: kernel.8.cloned.1.call-start
scs
__scs_entry_jumppad:
0x0: {  	(pc) =	sbr.rel $0x88, $3  }
0x1: {  	(tag) =	ssettag $0x0;
	lr =	simm.s32 $0x1  }
0x2: {  	[smem:$0x3F97] =	sst lr;
	_ =	strace $0xD0000000  }
0x3: {  	_ = 	snop  }
0x4: {  	_ = 	snop  }
0x5: {  	_ = 	snop  }
0x6: {  	_ = 	snop  }
0x7: {  	_ = 	snop  }
__scs_overlays_trampoline_lowered:
0x8: {  	[smem:$0x3FA6] =	sst s0  }
0x9: {  	[smem:$0x3FA7] =	sst s1  }
0xa: {  	[smem:$0x3FA8] =	sst s2  }
0xb: {  	[smem:$0x3FA9] =	sst s3  }
0xc: {  	[smem:$0x3FAA] =	sst s4  }
0xd: {  	[smem:$0x3FAB] =	sst s5  }
0xe: {  	[smem:$0x3FAC] =	sst s6  }
0xf: {  	[smem:$0x3FAD] =	sst s7  }
0x10: {  	[smem:$0x3FAE] =	sst s8  }
0x11: {  	[smem:$0x3FAF] =	sst s9;
	s0 =	simm.s32 @!p0 $0x0  }
0x12: {  	s1 =	sld [smem:$0x3F95];
	s0 =	simm.s32 @p0 $0x1  }
0x13: {  	[smem:$0x3FB0] =	sst s0;
	s0 =	simm.s32 @!p1 $0x0  }
0x14: {  	s2 =	sld [smem:$0x3F94];
	s0 =	simm.s32 @p1 $0x1  }
0x15: {  	[smem:$0x3FB1] =	sst s0;
	s0 =	simm.s32 @!p2 $0x0  }
0x16: {  	s3 =	sld [smem:$0x3FDB];
	s0 =	simm.s32 @p2 $0x1  }
0x17: {  	s4 =	simm.s32 $0x1BF5;
	[smem:$0x3FB3] =	sst s0  }
0x18: {  	s0 =	sld [smem:$0x3F96];
	_ =	swait.ge [sflag:s4], $0x0  }
0x19: {  	s7 =	sld [smem:$0x3F97]  }
0x1a: {  	s8 =	sadd.s32 $0xFFFFE003, lr  }
0x1b: {  	s9 =	sadd.s32 $0xFFFFFEF7, lr;
	s5 =	simm.s32 $0xFFFFFFFF;
	p2 =	slt.u32 s8, $0xFFFFF086  }
0x1c: {  	p1 =	slt.u32 s9, $0xF7A;
	s5 =	simm.s32 @!p2 $0x0  }
0x1d: {  	s5 =	simm.s32 @p1 $0x1;
	p0 =	seq.s32 s7, s2  }
0x1e: {  	s7 =	smul.u32 @!p0 $0xF7A, s2;
	p2 =	seq.s32 @!p0 s5, $0x0  }
0x1f: {  	s9 =	smul.u32 $0xF7A, s1;
	s8 =	simm.s32 @!p0 $0x1BF5;
	p2 =	por !p2, p0  }
0x20: {  	[sflag:s8] =	ssyncset.s32 @!p0 $0xFFFFF086;
	s6 =	sadd.s32 @!p0 s3, s7;
	s7 =	simm.s32 @!p0 $0x108  }
0x21: {  	s3 =	sadd.s32 s3, s9;
	s6 =	sadd.s32 @!p0 $0x88, s6;
	s7 =	simm.s32 @p2 $0x1082  }
0x22: {  	[simem:s7], [sflag:s8] =	dma.local @!p0 [hbm:s6], $0xF7A  }
0x23: {  	s9 =	sor.u32 $0xD0000000, s2;
	s6 =	simm.s32 $0x108;
	_ =	swait.ge @!p0 [sflag:s8], $0x0  }
0x24: {  	s3 =	sadd.s32 $0x88, s3;
	s6 =	simm.s32 @!p1 $0x1082;
	[sflag:s4] =	ssyncset.s32 $0xFFFFF086  }
0x25: {  	[simem:s6], [sflag:s4] =	dma.local [hbm:s3], $0xF7A  }
0x26: {  	[smem:$0x3F97] =	sst s1;
	(tag) =	ssettag s2;
	_ =	strace s9  }
0x27: {  	s1 =	sld [smem:$0x3FA7]  }
0x28: {  	s2 =	sld [smem:$0x3FA8]  }
0x29: {  	s4 =	sld [smem:$0x3FAA]  }
0x2a: {  	p0 =	seq.s32 s5, $0x0;
	s5 =	sld [smem:$0x3FAB]  }
0x2b: {  	s6 =	sld [smem:$0x3FAC]  }
0x2c: {  	s7 =	sld [smem:$0x3FAD]  }
0x2d: {  	s3 =	simm.s32 $0x108;
	s8 =	sld [smem:$0x3FAE]  }
0x2e: {  	s3 =	simm.s32 @!p0 $0x1082;
	s9 =	sld [smem:$0x3FAF]  }
0x2f: {  	lr =	sadd.s32 s0, s3;
	s0 =	sld [smem:$0x3FA6]  }
0x30: {  	s3 =	sld [smem:$0x3FA9]  }
0x31: {  	[smem:$0x3FB2] =	sst s10  }
0x32: {  	s10 =	sld [smem:$0x3FB0];
	_ =	sdelay $0x3  }
0x33: {  	p0 =	seq.s32 s10, $0x1;
	s10 =	sld [smem:$0x3FB2];
	_ =	sdelay $0x3  }
0x34: {  	[smem:$0x3FB2] =	sst s10  }
0x35: {  	s10 =	sld [smem:$0x3FB1];
	_ =	sdelay $0x3  }
0x36: {  	p1 =	seq.s32 s10, $0x1;
	s10 =	sld [smem:$0x3FB2];
	_ =	sdelay $0x3  }
0x37: {  	[smem:$0x3FB2] =	sst s10  }
0x38: {  	s10 =	sld [smem:$0x3FB3]  }
0x39: {  	_ = 	snop;
	(pc) =	sbr.ind lr, $3  }
0x3a: {  	_ = 	snop  }
0x3b: {  	_ = 	snop  }
0x3c: {  	p2 =	seq.s32 s10, $0x1;
	s10 =	sld [smem:$0x3FB2]  }
0x3d: {  	_ =	shalt  }
0x3e: {  	_ =	shalt  }
0x3f: {  	_ =	shalt  }
0x40: {  	_ =	shalt  }
0x41: {  	_ =	shalt  }
0x42: {  	_ =	shalt  }
0x43: {  	_ =	shalt  }
0x44: {  	_ =	shalt  }
0x45: {  	_ =	shalt  }
0x46: {  	_ =	shalt  }
0x47: {  	_ =	shalt  }
0x48: {  	_ =	shalt  }
0x49: {  	_ =	shalt  }
0x4a: {  	_ =	shalt  }
0x4b: {  	_ =	shalt  }
0x4c: {  	_ =	shalt  }
0x4d: {  	_ =	shalt  }
0x4e: {  	_ =	shalt  }
0x4f: {  	_ =	shalt  }
0x50: {  	_ =	shalt  }
0x51: {  	_ =	shalt  }
0x52: {  	_ =	shalt  }
0x53: {  	_ =	shalt  }
0x54: {  	_ =	shalt  }
0x55: {  	_ =	shalt  }
0x56: {  	_ =	shalt  }
0x57: {  	_ =	shalt  }
0x58: {  	_ =	shalt  }
0x59: {  	_ =	shalt  }
0x5a: {  	_ =	shalt  }
0x5b: {  	_ =	shalt  }
0x5c: {  	_ =	shalt  }
0x5d: {  	_ =	shalt  }
0x5e: {  	_ =	shalt  }
0x5f: {  	_ =	shalt  }
0x60: {  	_ =	shalt  }
0x61: {  	_ =	shalt  }
0x62: {  	_ =	shalt  }
0x63: {  	_ =	shalt  }
0x64: {  	_ =	shalt  }
0x65: {  	_ =	shalt  }
0x66: {  	_ =	shalt  }
0x67: {  	_ =	shalt  }
0x68: {  	_ =	shalt  }
0x69: {  	_ =	shalt  }
0x6a: {  	_ =	shalt  }
0x6b: {  	_ =	shalt  }
0x6c: {  	_ =	shalt  }
0x6d: {  	_ =	shalt  }
0x6e: {  	_ =	shalt  }
0x6f: {  	_ =	shalt  }
0x70: {  	_ =	shalt  }
0x71: {  	_ =	shalt  }
0x72: {  	_ =	shalt  }
0x73: {  	_ =	shalt  }
0x74: {  	_ =	shalt  }
0x75: {  	_ =	shalt  }
0x76: {  	_ =	shalt  }
0x77: {  	_ =	shalt  }
0x78: {  	_ =	shalt  }
0x79: {  	_ =	shalt  }
0x7a: {  	_ =	shalt  }
0x7b: {  	_ =	shalt  }
0x7c: {  	_ =	shalt  }
0x7d: {  	_ =	shalt  }
0x7e: {  	_ =	shalt  }
0x7f: {  	_ =	shalt  }
0x80: {  	_ =	shalt  }
0x81: {  	_ =	shalt  }
0x82: {  	_ =	shalt  }
0x83: {  	_ =	shalt  }
0x84: {  	_ =	shalt  }
0x85: {  	_ =	shalt  }
0x86: {  	_ =	shalt  }
0x87: {  	_ =	shalt  }
.Lfunc_end0:
.L_simem_size_0:
called_computation_lowered:
.L_overlay_start_0:
0x88: {  	s2 =	sld [smem:$0x3FD9]  }
0x89: {  	s3 =	sld [smem:$0x3FFE];
	_ =	sdelay $0x1  }
0x8a: {  	s1 =	srdreg.scid  }
0x8b: {  	s0 =	sand.u32 $0x1, s1  }
0x8c: {  	s17 =	sshll.u32 s0, $0xA;
	s2 =	sadd.s32 s3, s2  }
0x8d: {  	s2 =	sadd.s32 s2, s17  }
0x8e: {  	[smem:$0x3FBE] =	sst s2  }
0x8f: {  	_ = 	snop  }
0x90: {  	s2 =	sld [smem:$0x3FD0];
	(tm) =	ssettm $0x1  }
0x91: {  	s18 =	sld [smem:$0x3FFB];
	_ =	sdelay $0x3  }
0x92: {  	_ =	strace s18  }
0x93: {  	s3 =	sld [smem:$0x3FFC];
	_ =	sdelay $0x3  }
0x94: {  	_ =	strace s3  }
0x95: {  	s3 =	sld [smem:$0x3FFD];
	_ =	sdelay $0x3  }
0x96: {  	_ =	strace s3  }
0x97: {  	_ =	strace $0x8FFFFFFF  }
0x98: {  	s19 =	sld [smem:$0x3FDB];
	_ =	sdelay $0x1  }
0x99: {  	s4 =	simm.s32 $_scs_section_size  }
0x9a: {  	s5 =	simm.s32 $_size__tile_overlayer_lowered;
	s6 =	simm.s32 $_tile_overlayer_lowered  }
0x9b: {  	s22 =	simm.s32 $0x1BFF;
	s21 =	sshll.u32 s6, $0x1;
	s3 =	sadd.s32 s4, s19  }
0x9c: {  	s7 =	simm.s32 $0x0;
	s20 =	sshll.u32 s5, $0x1;
	s5 =	sadd.s32 s21, s3  }
0x9d: {  	[timem:s7], [sflag:s22] =	dma.local [hbm:s5], s20  }
0x9e: {  	_ =	swait.ge [sflag:s22], s20  }
0x9f: {  	s4 =	ssub.s32 $0x0, s20;
	[sflag:s22] =	ssyncset.done $0x0  }
0xa0: {  	[sflag:s22] =	ssyncadd.s32 s4;
	_ =	sdelay $0x1  }
0xa1: {  	s23 =	simm.s32 $0x1B8B  }
0xa2: {  	_ =	swait.ge [sflag:s23], $0x1  }
0xa3: {  	[sflag:s23] =	ssyncset.done $0x0  }
0xa4: {  	s25 =	simm.s32 $0x1B8E;
	s24 =	sld [smem:$0x3FFE];
	[sflag:s23] =	ssyncadd.s32 $0xFFFFFFFF  }
0xa5: {  	s26 =	simm.s32 $execute0_lowered;
	[smem:$0x3FD2] =	sst s25  }
0xa6: {  	s5 =	sshll.u32 s26, $0x1;
	_ =	strace $0x80000046;
	[dreg:$0x1] =	wrdreg $0xFFFFFFFF  }
0xa7: {  	s28 =	simm.s32 $_size_execute0_lowered;
	s3 =	sadd.s32 s3, s5;
	[dreg:$0x0] =	wrdreg $0x0  }
0xa8: {  	s5 =	sshll.u32 s28, $0x1;
	[dreg:$0x2] =	wrdreg s3  }
0xa9: {  	[dreg:$0x3] =	wrdreg s5  }
0xaa: {  	[dreg:$0x4] =	wrdreg $0xC0  }
0xab: {  	_ =	task [dreg:s7], $0x5FFFF  }
0xac: {  	[dreg:$0x1] =	wrdreg $0xFFFFFFFF  }
0xad: {  	[dreg:$0x0] =	wrdreg $0x60  }
0xae: {  	[dreg:$0x2] =	wrdreg s2  }
0xaf: {  	[dreg:$0x3] =	wrdreg s24  }
0xb0: {  	[dreg:$0x4] =	wrdreg $0x54000  }
0xb1: {  	[dreg:$0x5] =	wrdreg $0x9  }
0xb2: {  	_ =	task.clear_ibuf [dreg:s7], $0x6FFFF;
	_ =	strace $0x90000046  }
0xb3: {  	s29 =	simm.s32 $0x9;
	_ =	strace $0x80000048  }
0xb4: {  	_ =	swait.ge [sflag:s29], $0x1  }
0xb5: {  	[sflag:s29] =	ssyncadd.s32 $0xFFFFFFFF  }
0xb6: {  	_ =	strace $0x90000048  }
0xb7: {  	_ =	sfence  }
0xb8: {  	s30 =	sld [smem:$0x0];
	_ =	sdelay $0x2  }
0xb9: {  	s31 =	sshll.u32 s1, $0xD;
	s1 =	sshrl.u32 s1, $0x2  }
0xba: {  	s3 =	sand.u32 $0x4000, s31;
	s1 =	sadd.s32 s1, s30  }
0xbb: {  	s0 =	sor.u32 s3, s0;
	s1 =	sshll.u32 s1, $0x11  }
0xbc: {  	s0 =	sor.u32 s1, s0  }
0xbd: {  	s0 =	sadd.s32 $0x8F2B, s0  }
0xbe: {  	[sflag:s0] =	ssyncadd.remote.s32 $0x1  }
0xbf: {  	_ =	sfence.sel $0xFFFF  }
0xc0: {  	[dreg:$0x0] =	wrdreg $0xFFFFFFFF;
	(pc) =	sbr.abs _section_cstart, $3  }
0xc1: {  	[dreg:$0x1] =	wrdreg $0xFFFFFFFF  }
0xc2: {  	_ =	task.clear_ibuf [dreg:s7], $0x2FFFF;
	_ =	strace $0x9FFFFFFF  }
0xc3: {  	(tm) =	ssettm $0x7FFFFFFF  }
tec
execute0_lowered:
.L_overlay_start_1:
0x0: {  	(tag) =	ssettag $0x1  }
0x1: {  	s7 =	rddreg [dreg:$0x0]  }
0x2: {  	s5 =	rddreg [dreg:$0x1]  }
0x3: {  	s2 =	rddreg [dreg:$0x2];
	s0 =	stileid.u32  }
0x4: {  	s4 =	srdreg.scid;
	s1 =	rddreg [dreg:$0x3]  }
0x5: {  	s3 =	simm.s32 $0x0;
	s14 =	simm.s32 $0x0;
	s6 =	smul.u32 $0x1400, s0  }
0x6: {  	s8 =	sand.u32 $0x1, s4;
	[smem:$0x7FF] =	sst s3;
	s4 =	sadd.s32 $0x5000, s5  }
0x7: {  	s12 =	sshll.u32 s0, $0x1;
	s31 =	sshll.u32 s0, $0x6;
	s10 =	smul.u32 $0x14000, s8  }
0x8: {  	_ =	strace $0x80000047;
	s11 =	ssub.s32 $0x2, s8;
	s8 =	sor.u32 s8, s12  }
0x9: {  	s12 =	simm.s32 $0x5000;
	s9 =	sshrl.u32 s6, $0x3;
	s13 =	sshrl.u32 s11, $0x1  }
0xa: {  	s8 =	smul.u32 $0xA00, s8;
	s30 =	sadd.s32 s6, s2;
	s9 =	sadd.s32 s9, s5  }
0xb: {  	s10 =	sadd.s32 s6, s10;
	s11 =	ssub.s32 s11, s13;
	s6 =	sor.u32 $0x1C01, s31  }
0xc: {  	s13 =	simm.s32 $0x80;
	s10 =	sshrl.u32 s10, $0x3;
	s7 =	sadd.s32 s7, s8  }
0xd: {  	s10 =	sadd.s32 s10, s5;
	s5 =	sadd.s32 $0x2800, s9;
	s9 =	smax.u32 s11, $0x1  }
0xe: {  	s11 =	simm.s32 $0x1;
	s8 =	sadd.s32 $0x5200, s10;
	s10 =	sshrl.u32 s30, $0x3  }
.LBB2_1:
0xf: {  	[spmem:s10], [sflag:s6] =	dma.local [hbm:s5], $0x280  }
0x10: {  	_ =	swait.ge [sflag:s11], $0x280  }
0x11: {  	[sflag:s11] =	ssyncset.done $0x0  }
0x12: {  	[sflag:s11] =	ssyncadd.s32 $0xFFFFFD80  }
0x13: {  	[tilespmem:s12], [sflag:$0x1] =	stream.linear.gather [hbm4b:s4+s3], $0x400, $0x38;
	[tilespmem:$0x5680] =	vst v63  }
0x14: {  	_ =	swait.ge [sflag:s11], $0x400  }
0x15: {  	[sflag:s11] =	ssyncset.done $0x0  }
0x16: {  	[sflag:s11] =	ssyncadd.s32 $0xFFFFFC00  }
0x17: {  	[tilespmem:s3], [sflag:$0x1] =	stream.linear.gather [hbm4b:s7+s3], $0x5000, $0x38;
	[tilespmem:$0x5680] =	vst v63  }
0x18: {  	_ =	swait.ge [sflag:s11], $0x5000  }
0x19: {  	[sflag:s11] =	ssyncset.done $0x0  }
0x1a: {  	[sflag:s11] =	ssyncadd.s32 $0xFFFFB000  }
0x1b: {  	s15 =	simm.s32 $0x0;
	[bflag:$0x0] =	sbarrier.arrive $0xFFFF  }
0x1c: {  	[spmem:s2] =	stream.indirect.scatter.add.f32 [tilespmem:s12], [sflag:$0x1], $0x1, s15, s13, $0xb8;
	[tilespmem:$0x5680] =	vst v63  }
0x1d: {  	_ =	swait.ge [sflag:s11], $0x80  }
0x1e: {  	s15 =	simm.s32 $0x200;
	[sflag:s11] =	ssyncset.done $0x0  }
.LBB2_2:
0x1f: {  	s16 =	sshra.s32 s15, $0x2;
	[sflag:s11] =	ssyncadd.s32 $0xFFFFFF80;
	p0 =	sne.s32 s15, $0x13E00  }
0x20: {  	[spmem:s2] =	stream.indirect.scatter.add.f32 [tilespmem:s12], [sflag:$0x1], $0x1, s16, s13, $0xb8;
	[tilespmem:$0x5680] =	vst v63  }
.Ltmp0:
0x21: {  	_ = 	snop;
	(pc) =	sbr.rel @p0 .LBB2_2-.Ltmp0, $4  }
0x22: {  	_ = 	snop  }
0x23: {  	s15 =	sadd.s32 $0x200, s15  }
0x24: {  	_ =	swait.ge [sflag:s11], $0x80  }
0x25: {  	[sflag:s11] =	ssyncset.done $0x0  }
0x26: {  	s14 =	sadd.s32 $0x1, s14  }
0x27: {  	[sflag:s11] =	ssyncadd.s32 $0xFFFFFF80;
	p0 =	sne.s32 s14, s9  }
.Ltmp1:
0x28: {  	[bflag:$0x0] =	sbarrier.arrive $0xFFFF;
	(pc) =	sbr.rel @p0 .LBB2_1-.Ltmp1, $4  }
0x29: {  	[hbm:s8], [sflag:s6] =	dma.local [spmem:s10], $0x280  }
0x2a: {  	_ =	swait.ge [sflag:s11], $0x280  }
0x2b: {  	[sflag:s11] =	ssyncset.done $0x0  }
0x2c: {  	[sflag:s11] =	ssyncadd.s32 $0xFFFFFD80  }
0x2d: {  	_ =	sfence.sel $0x180000  }
0x2e: {  	[bflag:$0x0] =	sbarrier.arrive $0xFFFF  }
0x2f: {  	p0 =	sne.s32 s0, $0x0;
	_ =	strace $0x90000047  }
0x30: {  	s0 =	sadd.s32 @!p0 $0x100000, s1;
	[bflag:$0x2] =	sbarrier.arrive $0xFFFF  }
0x31: {  	[sflag:s0] =	ssyncadd.tile.s32 @!p0 $0x1;
	_ =	shalt  }
.Lfunc_end2:
_tile_overlayer_lowered:
.L_overlay_start_2:
0x32: {  	(tag) =	ssettag $0x2  }
0x33: {  	s0 =	rddreg [dreg:$0x0];
	s2 =	stileid.u32  }
0x34: {  	s1 =	rddreg [dreg:$0x1];
	p0 =	sne.s32 s2, $0x0  }
0x35: {  	s3 =	rddreg [dreg:$0x2];
	[bflag:$0x3] =	sbarrier.arrive $0xFFFF;
	s2 =	simm.s32 @!p0 $0x1C01  }
0x36: {  	[timem:s3], [sflag:s2] =	dma.local @!p0 [hbm:s0], s1  }
0x37: {  	s0 =	simm.s32 @!p0 $0x1  }
0x38: {  	_ =	swait.ge @!p0 [sflag:s0], s1  }
0x39: {  	s1 =	ssub.s32 @!p0 $0x0, s1;
	[sflag:s0] =	ssyncset.done @!p0 $0x0  }
0x3a: {  	[sflag:s0] =	ssyncadd.s32 @!p0 s1  }
0x3b: {  	[bflag:$0x3] =	sbarrier.arrive $0xFFFF  }
0x3c: {  	_ =	shalt  }

</sc_bundles>
